<compile_context>
chip_gen: v7x
topology: tpu7x:2x2x1
jax: 0.10.2.dev20260603
libtpu: 0.0.44.dev20260713+nightly
codegen_flags: <defaults>
</compile_context>

<pallas_src>
import functools
import jax
import jax.numpy as jnp
from jax import lax
from jax.experimental import pallas as pl
from jax.experimental.pallas import tpu as pltpu
from jax.experimental.pallas import tpu_sc as plsc

_N0, _N2, _N3, _N1 = 64, 24, 24, 768
_NW = 32
_MAJ_PER_W = _N0 // _NW


def _sc_body(idx_hbm, lw_hbm, feat_hbm, out_hbm, idx_v, lw_v, buf, gate_ref):
    cid = lax.axis_index("c")
    sid = lax.axis_index("s")
    wid = sid * 2 + cid

    pltpu.sync_copy(idx_hbm, idx_v)
    pltpu.sync_copy(lw_hbm, lw_v)
    idx16 = idx_v[...]
    w16 = plsc.load_gather(lw_v, [idx16])
    gate_ref[...] = 1.0 / (1.0 + jnp.exp(-w16))

    def do_chunk(m, r):
        pltpu.sync_copy(feat_hbm.at[m, r], buf)
        gate = gate_ref[...]

        def row_body(rr, _):
            for c in range(_N1 // 16):
                sl = (rr, pl.ds(c * 16, 16))
                buf[sl] = buf[sl] * gate
            return 0

        lax.fori_loop(0, _N2, row_body, 0)
        pltpu.sync_copy(buf, out_hbm.at[m, r])

    def maj_body(j, _):
        m = wid * _MAJ_PER_W + j

        def r_body(r, __):
            do_chunk(m, r)
            return 0

        lax.fori_loop(0, _N2, r_body, 0)
        return 0

    lax.fori_loop(0, _MAJ_PER_W, maj_body, 0)


def kernel(idx, feat, layerweight):
    feat_t = jnp.transpose(feat, (0, 2, 3, 1))
    idx_b = jnp.full((16,), idx, dtype=jnp.int32)
    lw_pad = jnp.pad(layerweight[0], (0, 32 - layerweight.shape[1]))
    mesh = plsc.VectorSubcoreMesh(core_axis_name="c", subcore_axis_name="s")
    sck = functools.partial(
        pl.kernel,
        mesh=mesh,
        out_type=jax.ShapeDtypeStruct((_N0, _N2, _N3, _N1), jnp.float32),
        scratch_types=[
            pltpu.VMEM((16,), jnp.int32),
            pltpu.VMEM((32,), jnp.float32),
            pltpu.VMEM((_N3, _N1), jnp.float32),
            pltpu.VMEM((16,), jnp.float32),
        ],
        compiler_params=pltpu.CompilerParams(needs_layout_passes=False),
    )(_sc_body)
    out_t = sck(idx_b, lw_pad, feat_t)
    return jnp.transpose(out_t, (0, 3, 1, 2))

# --- scband reference (transcript-rebuilt; emitter-appended) ---
"""Pipeline reference for scband-dynamic-feature-selection-15333033247118 (READ-ONLY COPY).

The authoritative reference and input builder live on the scoring server;
editing this copy changes nothing except your own understanding.
"""

import jax, jax.numpy as jnp
import numpy as np

N_FEATS = 17

def setup_inputs(seed: int = 0) -> dict:
    key = jax.random.key(seed)
    k1, k2 = jax.random.split(key)
    feat = jax.random.normal(k1, (64, 768, 24, 24), dtype=jnp.float32)
    # layerweight initialized to zeros per module default (use_xavier=False)
    layerweight = jnp.zeros((1, N_FEATS), dtype=jnp.float32)
    idx = 8  # scalar python int selecting which feature layer's gate to apply
    return {"idx": idx, "feat": feat, "layerweight": layerweight}

def reference(idx, feat, layerweight):
    # Faithful translation of DynamicFeatureSelection.forward:
    #   layerweight_norm = self.layerweight[0, idx].sigmoid()
    #   return feat * layerweight_norm
    layerweight_norm = jax.nn.sigmoid(layerweight[0, idx])
    return feat * layerweight_norm

if __name__ == "__main__":
    import jax
    _d = setup_inputs()
    print(jax.jit(kernel)(*tuple(_d.values())))

</pallas_src>

<mosaic_0001>
#map = affine_map<(d0, d1) -> (0)>
#map1 = affine_map<(d0, d1) -> (0, 0, 0, 0)>
module attributes {stable_mosaic.version = 14 : i64} {
  func.func @_sc_body(%arg0: i32, %arg1: i32, %arg2: memref<16xi32, #tpu.memory_space<hbm>>, %arg3: memref<32xf32, #tpu.memory_space<hbm>>, %arg4: memref<64x24x24x768xf32, #tpu.memory_space<hbm>>, %arg5: memref<64x24x24x768xf32, #tpu.memory_space<hbm>>, %arg6: memref<16xi32, #tpu.memory_space<vmem>>, %arg7: memref<32xf32, #tpu.memory_space<vmem>>, %arg8: memref<24x768xf32, #tpu.memory_space<vmem>>, %arg9: memref<16xf32, #tpu.memory_space<vmem>>) attributes {dimension_semantics = [#tpu.dimension_semantics<core_parallel>, #tpu.dimension_semantics<subcore_parallel>], iteration_bounds = array<i64: 2, 16>, scalar_prefetch = 0 : i64, scratch_operands = 4 : i64, tpu.core_type = #tpu.core_type<sc_vector_subcore>, window_params = [{transform_indices = #map}, {transform_indices = #map}, {transform_indices = #map1}, {transform_indices = #map1}]} {
    %mul3A = arith.constant 2 : i32
    %mul3A_0 = arith.muli %arg1, %mul3A : i32
    %add3A = arith.addi %mul3A_0, %arg0 : i32
    "tpu.region"() ({
      %run_scoped3A = tpu.sem_alloc : memref<!tpu.dma_semaphore, #tpu.memory_space<semaphore_mem>>
      tpu.enqueue_dma source(%arg2 : memref<16xi32, #tpu.memory_space<hbm>>) target(%arg6 : memref<16xi32, #tpu.memory_space<vmem>>) target_semaphore(%run_scoped3A : memref<!tpu.dma_semaphore, #tpu.memory_space<semaphore_mem>>)
      tpu.wait_dma2 semaphore(%run_scoped3A : memref<!tpu.dma_semaphore, #tpu.memory_space<semaphore_mem>>) src(%arg2 : memref<16xi32, #tpu.memory_space<hbm>>) dst(%arg6 : memref<16xi32, #tpu.memory_space<vmem>>)
      tpu.yield
    }) : () -> ()
    "tpu.region"() ({
      %run_scoped3A = tpu.sem_alloc : memref<!tpu.dma_semaphore, #tpu.memory_space<semaphore_mem>>
      tpu.enqueue_dma source(%arg3 : memref<32xf32, #tpu.memory_space<hbm>>) target(%arg7 : memref<32xf32, #tpu.memory_space<vmem>>) target_semaphore(%run_scoped3A : memref<!tpu.dma_semaphore, #tpu.memory_space<semaphore_mem>>)
      tpu.wait_dma2 semaphore(%run_scoped3A : memref<!tpu.dma_semaphore, #tpu.memory_space<semaphore_mem>>) src(%arg3 : memref<32xf32, #tpu.memory_space<hbm>>) dst(%arg7 : memref<32xf32, #tpu.memory_space<vmem>>)
      tpu.yield
    }) : () -> ()
    %get3A = arith.constant 0 : index
    %get3A_1 = tpu.vector_load %arg6[%get3A] {strides = array<i32>} : memref<16xi32, #tpu.memory_space<vmem>>, vector<16xi32>,
    %gather3A = tpu.vector_load_idx %arg7[%get3A_1] : memref<32xf32, #tpu.memory_space<vmem>>[vector<16xi32>], vector<16xf32>,
    %neg3A = arith.constant 0.000000e+00 : f32
    %neg3A_2 = vector.broadcast %neg3A : f32 to vector<16xf32>
    %neg3A_3 = arith.subf %neg3A_2, %gather3A : vector<16xf32>
    %exp3A = math.exp %neg3A_3 : vector<16xf32>
    %add3A_4 = arith.constant 1.000000e+00 : f32
    %add3A_5 = vector.broadcast %add3A_4 : f32 to vector<16xf32>
    %add3A_6 = arith.addf %add3A_5, %exp3A : vector<16xf32>
    %div3A = arith.constant 1.000000e+00 : f32
    %div3A_7 = vector.broadcast %div3A : f32 to vector<16xf32>
    %div3A_8 = arith.divf %div3A_7, %add3A_6 : vector<16xf32>
    %swap3A = arith.constant 0 : index
    %swap3A_9 = tpu.vector_load %arg9[%swap3A] {strides = array<i32>} : memref<16xf32, #tpu.memory_space<vmem>>, vector<16xf32>,
    tpu.vector_store %arg9[%swap3A], %div3A_8 {strides = array<i32>} : memref<16xf32, #tpu.memory_space<vmem>>, vector<16xf32>,
    %scan3A = arith.constant 0 : i32
    %scan3A_10 = arith.constant 0 : i32
    %scan3A_11 = arith.constant 2 : i32
    %scan3A_12 = arith.addi %scan3A_10, %scan3A_11 : i32
    %scan3A_13 = arith.constant 1 : i32
    %scan3A_14 = scf.for %scan3A_16 = %scan3A_10 to %scan3A_12 step %scan3A_13 iter_args(%scan3A_17 = %scan3A) -> (i32)  : i32 {
      %mul3A_18 = arith.constant 2 : i32
      %mul3A_19 = arith.muli %add3A, %mul3A_18 : i32
      %add3A_20 = arith.addi %mul3A_19, %scan3A_16 : i32
      %scan3A_21 = arith.constant 0 : i32
      %scan3A_22 = arith.constant 0 : i32
      %scan3A_23 = arith.constant 24 : i32
      %scan3A_24 = arith.addi %scan3A_22, %scan3A_23 : i32
      %scan3A_25 = arith.constant 1 : i32
      %scan3A_26 = scf.for %scan3A_29 = %scan3A_22 to %scan3A_24 step %scan3A_25 iter_args(%scan3A_30 = %scan3A_21) -> (i32)  : i32 {
        "tpu.region"() ({
          %run_scoped3A = tpu.sem_alloc : memref<!tpu.dma_semaphore, #tpu.memory_space<semaphore_mem>>
          %dma_start3A = arith.constant 0 : i32
          %dma_start3A_41 = arith.constant 0 : i32
          %dma_start3A_42 = tpu.memref_slice %arg4[%add3A_20, %scan3A_29, %dma_start3A, %dma_start3A_41] : memref<64x24x24x768xf32, #tpu.memory_space<hbm>> -> memref<1x1x24x768xf32, #tpu.memory_space<hbm>>
          %dma_start3A_43 = tpu.memref_squeeze %dma_start3A_42 : memref<1x1x24x768xf32, #tpu.memory_space<hbm>> -> memref<24x768xf32, #tpu.memory_space<hbm>>
          %dma_start3A_44 = arith.constant 0 : i32
          %dma_start3A_45 = arith.constant 0 : i32
          %dma_start3A_46 = tpu.memref_slice %arg4[%add3A_20, %scan3A_29, %dma_start3A_44, %dma_start3A_45] : memref<64x24x24x768xf32, #tpu.memory_space<hbm>> -> memref<1x1x24x768xf32, #tpu.memory_space<hbm>>
          %dma_start3A_47 = tpu.memref_squeeze %dma_start3A_46 : memref<1x1x24x768xf32, #tpu.memory_space<hbm>> -> memref<24x768xf32, #tpu.memory_space<hbm>>
          tpu.enqueue_dma source(%dma_start3A_47 : memref<24x768xf32, #tpu.memory_space<hbm>>) target(%arg8 : memref<24x768xf32, #tpu.memory_space<vmem>>) target_semaphore(%run_scoped3A : memref<!tpu.dma_semaphore, #tpu.memory_space<semaphore_mem>>)
          %dma_wait3A = arith.constant 0 : i32
          %dma_wait3A_48 = arith.constant 0 : i32
          %dma_wait3A_49 = tpu.memref_slice %arg4[%add3A_20, %scan3A_29, %dma_wait3A, %dma_wait3A_48] : memref<64x24x24x768xf32, #tpu.memory_space<hbm>> -> memref<1x1x24x768xf32, #tpu.memory_space<hbm>>
          %dma_wait3A_50 = tpu.memref_squeeze %dma_wait3A_49 : memref<1x1x24x768xf32, #tpu.memory_space<hbm>> -> memref<24x768xf32, #tpu.memory_space<hbm>>
          %dma_wait3A_51 = arith.constant 0 : i32
          %dma_wait3A_52 = arith.constant 0 : i32
          %dma_wait3A_53 = tpu.memref_slice %arg4[%add3A_20, %scan3A_29, %dma_wait3A_51, %dma_wait3A_52] : memref<64x24x24x768xf32, #tpu.memory_space<hbm>> -> memref<1x1x24x768xf32, #tpu.memory_space<hbm>>
          %dma_wait3A_54 = tpu.memref_squeeze %dma_wait3A_53 : memref<1x1x24x768xf32, #tpu.memory_space<hbm>> -> memref<24x768xf32, #tpu.memory_space<hbm>>
          tpu.wait_dma2 semaphore(%run_scoped3A : memref<!tpu.dma_semaphore, #tpu.memory_space<semaphore_mem>>) src(%dma_wait3A_54 : memref<24x768xf32, #tpu.memory_space<hbm>>) dst(%arg8 : memref<24x768xf32, #tpu.memory_space<vmem>>)
          tpu.yield
        }) : () -> ()
        %get3A_31 = arith.constant 0 : index
        %get3A_32 = tpu.vector_load %arg9[%get3A_31] {strides = array<i32>} : memref<16xf32, #tpu.memory_space<vmem>>, vector<16xf32>,
        %scan3A_33 = arith.constant 0 : i32
        %scan3A_34 = arith.constant 0 : i32
        %scan3A_35 = arith.constant 24 : i32
        %scan3A_36 = arith.addi %scan3A_34, %scan3A_35 : i32
        %scan3A_37 = arith.constant 1 : i32
        %scan3A_38 = scf.for %scan3A_41 = %scan3A_34 to %scan3A_36 step %scan3A_37 iter_args(%scan3A_42 = %scan3A_33) -> (i32)  : i32 {
          %get3A_43 = arith.index_cast %scan3A_41 : i32 to index
          %get3A_44 = arith.constant 0 : index
          %get3A_45 = tpu.vector_load %arg8[%get3A_43, %get3A_44] {strides = array<i32>} : memref<24x768xf32, #tpu.memory_space<vmem>>, vector<16xf32>,
          %mul3A_46 = arith.mulf %get3A_45, %get3A_32 : vector<16xf32>
          %swap3A_47 = arith.index_cast %scan3A_41 : i32 to index
          %swap3A_48 = arith.constant 0 : index
          %swap3A_49 = tpu.vector_load %arg8[%swap3A_47, %swap3A_48] {strides = array<i32>} : memref<24x768xf32, #tpu.memory_space<vmem>>, vector<16xf32>,
          tpu.vector_store %arg8[%swap3A_47, %swap3A_48], %mul3A_46 {strides = array<i32>} : memref<24x768xf32, #tpu.memory_space<vmem>>, vector<16xf32>,
          %get3A_50 = arith.index_cast %scan3A_41 : i32 to index
          %get3A_51 = arith.constant 16 : index
          %get3A_52 = tpu.vector_load %arg8[%get3A_50, %get3A_51] {strides = array<i32>} : memref<24x768xf32, #tpu.memory_space<vmem>>, vector<16xf32>,
          %mul3A_53 = arith.mulf %get3A_52, %get3A_32 : vector<16xf32>
          %swap3A_54 = arith.index_cast %scan3A_41 : i32 to index
          %swap3A_55 = arith.constant 16 : index
          %swap3A_56 = tpu.vector_load %arg8[%swap3A_54, %swap3A_55] {strides = array<i32>} : memref<24x768xf32, #tpu.memory_space<vmem>>, vector<16xf32>,
          tpu.vector_store %arg8[%swap3A_54, %swap3A_55], %mul3A_53 {strides = array<i32>} : memref<24x768xf32, #tpu.memory_space<vmem>>, vector<16xf32>,
          %get3A_57 = arith.index_cast %scan3A_41 : i32 to index
          %get3A_58 = arith.constant 32 : index
          %get3A_59 = tpu.vector_load %arg8[%get3A_57, %get3A_58] {strides = array<i32>} : memref<24x768xf32, #tpu.memory_space<vmem>>, vector<16xf32>,
          %mul3A_60 = arith.mulf %get3A_59, %get3A_32 : vector<16xf32>
          %swap3A_61 = arith.index_cast %scan3A_41 : i32 to index
          %swap3A_62 = arith.constant 32 : index
          %swap3A_63 = tpu.vector_load %arg8[%swap3A_61, %swap3A_62] {strides = array<i32>} : memref<24x768xf32, #tpu.memory_space<vmem>>, vector<16xf32>,
          tpu.vector_store %arg8[%swap3A_61, %swap3A_62], %mul3A_60 {strides = array<i32>} : memref<24x768xf32, #tpu.memory_space<vmem>>, vector<16xf32>,
          %get3A_64 = arith.index_cast %scan3A_41 : i32 to index
          %get3A_65 = arith.constant 48 : index
          %get3A_66 = tpu.vector_load %arg8[%get3A_64, %get3A_65] {strides = array<i32>} : memref<24x768xf32, #tpu.memory_space<vmem>>, vector<16xf32>,
          %mul3A_67 = arith.mulf %get3A_66, %get3A_32 : vector<16xf32>
          %swap3A_68 = arith.index_cast %scan3A_41 : i32 to index
          %swap3A_69 = arith.constant 48 : index
          %swap3A_70 = tpu.vector_load %arg8[%swap3A_68, %swap3A_69] {strides = array<i32>} : memref<24x768xf32, #tpu.memory_space<vmem>>, vector<16xf32>,
          tpu.vector_store %arg8[%swap3A_68, %swap3A_69], %mul3A_67 {strides = array<i32>} : memref<24x768xf32, #tpu.memory_space<vmem>>, vector<16xf32>,
          %get3A_71 = arith.index_cast %scan3A_41 : i32 to index
          %get3A_72 = arith.constant 64 : index
          %get3A_73 = tpu.vector_load %arg8[%get3A_71, %get3A_72] {strides = array<i32>} : memref<24x768xf32, #tpu.memory_space<vmem>>, vector<16xf32>,
          %mul3A_74 = arith.mulf %get3A_73, %get3A_32 : vector<16xf32>
          %swap3A_75 = arith.index_cast %scan3A_41 : i32 to index
          %swap3A_76 = arith.constant 64 : index
          %swap3A_77 = tpu.vector_load %arg8[%swap3A_75, %swap3A_76] {strides = array<i32>} : memref<24x768xf32, #tpu.memory_space<vmem>>, vector<16xf32>,
          tpu.vector_store %arg8[%swap3A_75, %swap3A_76], %mul3A_74 {strides = array<i32>} : memref<24x768xf32, #tpu.memory_space<vmem>>, vector<16xf32>,
          %get3A_78 = arith.index_cast %scan3A_41 : i32 to index
          %get3A_79 = arith.constant 80 : index
          %get3A_80 = tpu.vector_load %arg8[%get3A_78, %get3A_79] {strides = array<i32>} : memref<24x768xf32, #tpu.memory_space<vmem>>, vector<16xf32>,
          %mul3A_81 = arith.mulf %get3A_80, %get3A_32 : vector<16xf32>
          %swap3A_82 = arith.index_cast %scan3A_41 : i32 to index
          %swap3A_83 = arith.constant 80 : index
          %swap3A_84 = tpu.vector_load %arg8[%swap3A_82, %swap3A_83] {strides = array<i32>} : memref<24x768xf32, #tpu.memory_space<vmem>>, vector<16xf32>,
          tpu.vector_store %arg8[%swap3A_82, %swap3A_83], %mul3A_81 {strides = array<i32>} : memref<24x768xf32, #tpu.memory_space<vmem>>, vector<16xf32>,
          %get3A_85 = arith.index_cast %scan3A_41 : i32 to index
          %get3A_86 = arith.constant 96 : index
          %get3A_87 = tpu.vector_load %arg8[%get3A_85, %get3A_86] {strides = array<i32>} : memref<24x768xf32, #tpu.memory_space<vmem>>, vector<16xf32>,
          %mul3A_88 = arith.mulf %get3A_87, %get3A_32 : vector<16xf32>
          %swap3A_89 = arith.index_cast %scan3A_41 : i32 to index
          %swap3A_90 = arith.constant 96 : index
          %swap3A_91 = tpu.vector_load %arg8[%swap3A_89, %swap3A_90] {strides = array<i32>} : memref<24x768xf32, #tpu.memory_space<vmem>>, vector<16xf32>,
          tpu.vector_store %arg8[%swap3A_89, %swap3A_90], %mul3A_88 {strides = array<i32>} : memref<24x768xf32, #tpu.memory_space<vmem>>, vector<16xf32>,
          %get3A_92 = arith.index_cast %scan3A_41 : i32 to index
          %get3A_93 = arith.constant 112 : index
          %get3A_94 = tpu.vector_load %arg8[%get3A_92, %get3A_93] {strides = array<i32>} : memref<24x768xf32, #tpu.memory_space<vmem>>, vector<16xf32>,
          %mul3A_95 = arith.mulf %get3A_94, %get3A_32 : vector<16xf32>
          %swap3A_96 = arith.index_cast %scan3A_41 : i32 to index
          %swap3A_97 = arith.constant 112 : index
          %swap3A_98 = tpu.vector_load %arg8[%swap3A_96, %swap3A_97] {strides = array<i32>} : memref<24x768xf32, #tpu.memory_space<vmem>>, vector<16xf32>,
          tpu.vector_store %arg8[%swap3A_96, %swap3A_97], %mul3A_95 {strides = array<i32>} : memref<24x768xf32, #tpu.memory_space<vmem>>, vector<16xf32>,
          %get3A_99 = arith.index_cast %scan3A_41 : i32 to index
          %get3A_100 = arith.constant 128 : index
          %get3A_101 = tpu.vector_load %arg8[%get3A_99, %get3A_100] {strides = array<i32>} : memref<24x768xf32, #tpu.memory_space<vmem>>, vector<16xf32>,
          %mul3A_102 = arith.mulf %get3A_101, %get3A_32 : vector<16xf32>
          %swap3A_103 = arith.index_cast %scan3A_41 : i32 to index
          %swap3A_104 = arith.constant 128 : index
          %swap3A_105 = tpu.vector_load %arg8[%swap3A_103, %swap3A_104] {strides = array<i32>} : memref<24x768xf32, #tpu.memory_space<vmem>>, vector<16xf32>,
          tpu.vector_store %arg8[%swap3A_103, %swap3A_104], %mul3A_102 {strides = array<i32>} : memref<24x768xf32, #tpu.memory_space<vmem>>, vector<16xf32>,
          %get3A_106 = arith.index_cast %scan3A_41 : i32 to index
          %get3A_107 = arith.constant 144 : index
          %get3A_108 = tpu.vector_load %arg8[%get3A_106, %get3A_107] {strides = array<i32>} : memref<24x768xf32, #tpu.memory_space<vmem>>, vector<16xf32>,
          %mul3A_109 = arith.mulf %get3A_108, %get3A_32 : vector<16xf32>
          %swap3A_110 = arith.index_cast %scan3A_41 : i32 to index
          %swap3A_111 = arith.constant 144 : index
          %swap3A_112 = tpu.vector_load %arg8[%swap3A_110, %swap3A_111] {strides = array<i32>} : memref<24x768xf32, #tpu.memory_space<vmem>>, vector<16xf32>,
          tpu.vector_store %arg8[%swap3A_110, %swap3A_111], %mul3A_109 {strides = array<i32>} : memref<24x768xf32, #tpu.memory_space<vmem>>, vector<16xf32>,
          %get3A_113 = arith.index_cast %scan3A_41 : i32 to index
          %get3A_114 = arith.constant 160 : index
          %get3A_115 = tpu.vector_load %arg8[%get3A_113, %get3A_114] {strides = array<i32>} : memref<24x768xf32, #tpu.memory_space<vmem>>, vector<16xf32>,
          %mul3A_116 = arith.mulf %get3A_115, %get3A_32 : vector<16xf32>
          %swap3A_117 = arith.index_cast %scan3A_41 : i32 to index
          %swap3A_118 = arith.constant 160 : index
          %swap3A_119 = tpu.vector_load %arg8[%swap3A_117, %swap3A_118] {strides = array<i32>} : memref<24x768xf32, #tpu.memory_space<vmem>>, vector<16xf32>,
          tpu.vector_store %arg8[%swap3A_117, %swap3A_118], %mul3A_116 {strides = array<i32>} : memref<24x768xf32, #tpu.memory_space<vmem>>, vector<16xf32>,
          %get3A_120 = arith.index_cast %scan3A_41 : i32 to index
          %get3A_121 = arith.constant 176 : index
          %get3A_122 = tpu.vector_load %arg8[%get3A_120, %get3A_121] {strides = array<i32>} : memref<24x768xf32, #tpu.memory_space<vmem>>, vector<16xf32>,
          %mul3A_123 = arith.mulf %get3A_122, %get3A_32 : vector<16xf32>
          %swap3A_124 = arith.index_cast %scan3A_41 : i32 to index
          %swap3A_125 = arith.constant 176 : index
          %swap3A_126 = tpu.vector_load %arg8[%swap3A_124, %swap3A_125] {strides = array<i32>} : memref<24x768xf32, #tpu.memory_space<vmem>>, vector<16xf32>,
          tpu.vector_store %arg8[%swap3A_124, %swap3A_125], %mul3A_123 {strides = array<i32>} : memref<24x768xf32, #tpu.memory_space<vmem>>, vector<16xf32>,
          %get3A_127 = arith.index_cast %scan3A_41 : i32 to index
          %get3A_128 = arith.constant 192 : index
          %get3A_129 = tpu.vector_load %arg8[%get3A_127, %get3A_128] {strides = array<i32>} : memref<24x768xf32, #tpu.memory_space<vmem>>, vector<16xf32>,
          %mul3A_130 = arith.mulf %get3A_129, %get3A_32 : vector<16xf32>
          %swap3A_131 = arith.index_cast %scan3A_41 : i32 to index
          %swap3A_132 = arith.constant 192 : index
          %swap3A_133 = tpu.vector_load %arg8[%swap3A_131, %swap3A_132] {strides = array<i32>} : memref<24x768xf32, #tpu.memory_space<vmem>>, vector<16xf32>,
          tpu.vector_store %arg8[%swap3A_131, %swap3A_132], %mul3A_130 {strides = array<i32>} : memref<24x768xf32, #tpu.memory_space<vmem>>, vector<16xf32>,
          %get3A_134 = arith.index_cast %scan3A_41 : i32 to index
          %get3A_135 = arith.constant 208 : index
          %get3A_136 = tpu.vector_load %arg8[%get3A_134, %get3A_135] {strides = array<i32>} : memref<24x768xf32, #tpu.memory_space<vmem>>, vector<16xf32>,
          %mul3A_137 = arith.mulf %get3A_136, %get3A_32 : vector<16xf32>
          %swap3A_138 = arith.index_cast %scan3A_41 : i32 to index
          %swap3A_139 = arith.constant 208 : index
          %swap3A_140 = tpu.vector_load %arg8[%swap3A_138, %swap3A_139] {strides = array<i32>} : memref<24x768xf32, #tpu.memory_space<vmem>>, vector<16xf32>,
          tpu.vector_store %arg8[%swap3A_138, %swap3A_139], %mul3A_137 {strides = array<i32>} : memref<24x768xf32, #tpu.memory_space<vmem>>, vector<16xf32>,
          %get3A_141 = arith.index_cast %scan3A_41 : i32 to index
          %get3A_142 = arith.constant 224 : index
          %get3A_143 = tpu.vector_load %arg8[%get3A_141, %get3A_142] {strides = array<i32>} : memref<24x768xf32, #tpu.memory_space<vmem>>, vector<16xf32>,
          %mul3A_144 = arith.mulf %get3A_143, %get3A_32 : vector<16xf32>
          %swap3A_145 = arith.index_cast %scan3A_41 : i32 to index
          %swap3A_146 = arith.constant 224 : index
          %swap3A_147 = tpu.vector_load %arg8[%swap3A_145, %swap3A_146] {strides = array<i32>} : memref<24x768xf32, #tpu.memory_space<vmem>>, vector<16xf32>,
          tpu.vector_store %arg8[%swap3A_145, %swap3A_146], %mul3A_144 {strides = array<i32>} : memref<24x768xf32, #tpu.memory_space<vmem>>, vector<16xf32>,
          %get3A_148 = arith.index_cast %scan3A_41 : i32 to index
          %get3A_149 = arith.constant 240 : index
          %get3A_150 = tpu.vector_load %arg8[%get3A_148, %get3A_149] {strides = array<i32>} : memref<24x768xf32, #tpu.memory_space<vmem>>, vector<16xf32>,
          %mul3A_151 = arith.mulf %get3A_150, %get3A_32 : vector<16xf32>
          %swap3A_152 = arith.index_cast %scan3A_41 : i32 to index
          %swap3A_153 = arith.constant 240 : index
          %swap3A_154 = tpu.vector_load %arg8[%swap3A_152, %swap3A_153] {strides = array<i32>} : memref<24x768xf32, #tpu.memory_space<vmem>>, vector<16xf32>,
          tpu.vector_store %arg8[%swap3A_152, %swap3A_153], %mul3A_151 {strides = array<i32>} : memref<24x768xf32, #tpu.memory_space<vmem>>, vector<16xf32>,
          %get3A_155 = arith.index_cast %scan3A_41 : i32 to index
          %get3A_156 = arith.constant 256 : index
          %get3A_157 = tpu.vector_load %arg8[%get3A_155, %get3A_156] {strides = array<i32>} : memref<24x768xf32, #tpu.memory_space<vmem>>, vector<16xf32>,
          %mul3A_158 = arith.mulf %get3A_157, %get3A_32 : vector<16xf32>
          %swap3A_159 = arith.index_cast %scan3A_41 : i32 to index
          %swap3A_160 = arith.constant 256 : index
          %swap3A_161 = tpu.vector_load %arg8[%swap3A_159, %swap3A_160] {strides = array<i32>} : memref<24x768xf32, #tpu.memory_space<vmem>>, vector<16xf32>,
          tpu.vector_store %arg8[%swap3A_159, %swap3A_160], %mul3A_158 {strides = array<i32>} : memref<24x768xf32, #tpu.memory_space<vmem>>, vector<16xf32>,
          %get3A_162 = arith.index_cast %scan3A_41 : i32 to index
          %get3A_163 = arith.constant 272 : index
          %get3A_164 = tpu.vector_load %arg8[%get3A_162, %get3A_163] {strides = array<i32>} : memref<24x768xf32, #tpu.memory_space<vmem>>, vector<16xf32>,
          %mul3A_165 = arith.mulf %get3A_164, %get3A_32 : vector<16xf32>
          %swap3A_166 = arith.index_cast %scan3A_41 : i32 to index
          %swap3A_167 = arith.constant 272 : index
          %swap3A_168 = tpu.vector_load %arg8[%swap3A_166, %swap3A_167] {strides = array<i32>} : memref<24x768xf32, #tpu.memory_space<vmem>>, vector<16xf32>,
          tpu.vector_store %arg8[%swap3A_166, %swap3A_167], %mul3A_165 {strides = array<i32>} : memref<24x768xf32, #tpu.memory_space<vmem>>, vector<16xf32>,
          %get3A_169 = arith.index_cast %scan3A_41 : i32 to index
          %get3A_170 = arith.constant 288 : index
          %get3A_171 = tpu.vector_load %arg8[%get3A_169, %get3A_170] {strides = array<i32>} : memref<24x768xf32, #tpu.memory_space<vmem>>, vector<16xf32>,
          %mul3A_172 = arith.mulf %get3A_171, %get3A_32 : vector<16xf32>
          %swap3A_173 = arith.index_cast %scan3A_41 : i32 to index
          %swap3A_174 = arith.constant 288 : index
          %swap3A_175 = tpu.vector_load %arg8[%swap3A_173, %swap3A_174] {strides = array<i32>} : memref<24x768xf32, #tpu.memory_space<vmem>>, vector<16xf32>,
          tpu.vector_store %arg8[%swap3A_173, %swap3A_174], %mul3A_172 {strides = array<i32>} : memref<24x768xf32, #tpu.memory_space<vmem>>, vector<16xf32>,
          %get3A_176 = arith.index_cast %scan3A_41 : i32 to index
          %get3A_177 = arith.constant 304 : index
          %get3A_178 = tpu.vector_load %arg8[%get3A_176, %get3A_177] {strides = array<i32>} : memref<24x768xf32, #tpu.memory_space<vmem>>, vector<16xf32>,
          %mul3A_179 = arith.mulf %get3A_178, %get3A_32 : vector<16xf32>
          %swap3A_180 = arith.index_cast %scan3A_41 : i32 to index
          %swap3A_181 = arith.constant 304 : index
          %swap3A_182 = tpu.vector_load %arg8[%swap3A_180, %swap3A_181] {strides = array<i32>} : memref<24x768xf32, #tpu.memory_space<vmem>>, vector<16xf32>,
          tpu.vector_store %arg8[%swap3A_180, %swap3A_181], %mul3A_179 {strides = array<i32>} : memref<24x768xf32, #tpu.memory_space<vmem>>, vector<16xf32>,
          %get3A_183 = arith.index_cast %scan3A_41 : i32 to index
          %get3A_184 = arith.constant 320 : index
          %get3A_185 = tpu.vector_load %arg8[%get3A_183, %get3A_184] {strides = array<i32>} : memref<24x768xf32, #tpu.memory_space<vmem>>, vector<16xf32>,
          %mul3A_186 = arith.mulf %get3A_185, %get3A_32 : vector<16xf32>
          %swap3A_187 = arith.index_cast %scan3A_41 : i32 to index
          %swap3A_188 = arith.constant 320 : index
          %swap3A_189 = tpu.vector_load %arg8[%swap3A_187, %swap3A_188] {strides = array<i32>} : memref<24x768xf32, #tpu.memory_space<vmem>>, vector<16xf32>,
          tpu.vector_store %arg8[%swap3A_187, %swap3A_188], %mul3A_186 {strides = array<i32>} : memref<24x768xf32, #tpu.memory_space<vmem>>, vector<16xf32>,
          %get3A_190 = arith.index_cast %scan3A_41 : i32 to index
          %get3A_191 = arith.constant 336 : index
          %get3A_192 = tpu.vector_load %arg8[%get3A_190, %get3A_191] {strides = array<i32>} : memref<24x768xf32, #tpu.memory_space<vmem>>, vector<16xf32>,
          %mul3A_193 = arith.mulf %get3A_192, %get3A_32 : vector<16xf32>
          %swap3A_194 = arith.index_cast %scan3A_41 : i32 to index
          %swap3A_195 = arith.constant 336 : index
          %swap3A_196 = tpu.vector_load %arg8[%swap3A_194, %swap3A_195] {strides = array<i32>} : memref<24x768xf32, #tpu.memory_space<vmem>>, vector<16xf32>,
          tpu.vector_store %arg8[%swap3A_194, %swap3A_195], %mul3A_193 {strides = array<i32>} : memref<24x768xf32, #tpu.memory_space<vmem>>, vector<16xf32>,
          %get3A_197 = arith.index_cast %scan3A_41 : i32 to index
          %get3A_198 = arith.constant 352 : index
          %get3A_199 = tpu.vector_load %arg8[%get3A_197, %get3A_198] {strides = array<i32>} : memref<24x768xf32, #tpu.memory_space<vmem>>, vector<16xf32>,
          %mul3A_200 = arith.mulf %get3A_199, %get3A_32 : vector<16xf32>
          %swap3A_201 = arith.index_cast %scan3A_41 : i32 to index
          %swap3A_202 = arith.constant 352 : index
          %swap3A_203 = tpu.vector_load %arg8[%swap3A_201, %swap3A_202] {strides = array<i32>} : memref<24x768xf32, #tpu.memory_space<vmem>>, vector<16xf32>,
          tpu.vector_store %arg8[%swap3A_201, %swap3A_202], %mul3A_200 {strides = array<i32>} : memref<24x768xf32, #tpu.memory_space<vmem>>, vector<16xf32>,
          %get3A_204 = arith.index_cast %scan3A_41 : i32 to index
          %get3A_205 = arith.constant 368 : index
          %get3A_206 = tpu.vector_load %arg8[%get3A_204, %get3A_205] {strides = array<i32>} : memref<24x768xf32, #tpu.memory_space<vmem>>, vector<16xf32>,
          %mul3A_207 = arith.mulf %get3A_206, %get3A_32 : vector<16xf32>
          %swap3A_208 = arith.index_cast %scan3A_41 : i32 to index
          %swap3A_209 = arith.constant 368 : index
          %swap3A_210 = tpu.vector_load %arg8[%swap3A_208, %swap3A_209] {strides = array<i32>} : memref<24x768xf32, #tpu.memory_space<vmem>>, vector<16xf32>,
          tpu.vector_store %arg8[%swap3A_208, %swap3A_209], %mul3A_207 {strides = array<i32>} : memref<24x768xf32, #tpu.memory_space<vmem>>, vector<16xf32>,
          %get3A_211 = arith.index_cast %scan3A_41 : i32 to index
          %get3A_212 = arith.constant 384 : index
          %get3A_213 = tpu.vector_load %arg8[%get3A_211, %get3A_212] {strides = array<i32>} : memref<24x768xf32, #tpu.memory_space<vmem>>, vector<16xf32>,
          %mul3A_214 = arith.mulf %get3A_213, %get3A_32 : vector<16xf32>
          %swap3A_215 = arith.index_cast %scan3A_41 : i32 to index
          %swap3A_216 = arith.constant 384 : index
          %swap3A_217 = tpu.vector_load %arg8[%swap3A_215, %swap3A_216] {strides = array<i32>} : memref<24x768xf32, #tpu.memory_space<vmem>>, vector<16xf32>,
          tpu.vector_store %arg8[%swap3A_215, %swap3A_216], %mul3A_214 {strides = array<i32>} : memref<24x768xf32, #tpu.memory_space<vmem>>, vector<16xf32>,
          %get3A_218 = arith.index_cast %scan3A_41 : i32 to index
          %get3A_219 = arith.constant 400 : index
          %get3A_220 = tpu.vector_load %arg8[%get3A_218, %get3A_219] {strides = array<i32>} : memref<24x768xf32, #tpu.memory_space<vmem>>, vector<16xf32>,
          %mul3A_221 = arith.mulf %get3A_220, %get3A_32 : vector<16xf32>
          %swap3A_222 = arith.index_cast %scan3A_41 : i32 to index
          %swap3A_223 = arith.constant 400 : index
          %swap3A_224 = tpu.vector_load %arg8[%swap3A_222, %swap3A_223] {strides = array<i32>} : memref<24x768xf32, #tpu.memory_space<vmem>>, vector<16xf32>,
          tpu.vector_store %arg8[%swap3A_222, %swap3A_223], %mul3A_221 {strides = array<i32>} : memref<24x768xf32, #tpu.memory_space<vmem>>, vector<16xf32>,
          %get3A_225 = arith.index_cast %scan3A_41 : i32 to index
          %get3A_226 = arith.constant 416 : index
          %get3A_227 = tpu.vector_load %arg8[%get3A_225, %get3A_226] {strides = array<i32>} : memref<24x768xf32, #tpu.memory_space<vmem>>, vector<16xf32>,
          %mul3A_228 = arith.mulf %get3A_227, %get3A_32 : vector<16xf32>
          %swap3A_229 = arith.index_cast %scan3A_41 : i32 to index
          %swap3A_230 = arith.constant 416 : index
          %swap3A_231 = tpu.vector_load %arg8[%swap3A_229, %swap3A_230] {strides = array<i32>} : memref<24x768xf32, #tpu.memory_space<vmem>>, vector<16xf32>,
          tpu.vector_store %arg8[%swap3A_229, %swap3A_230], %mul3A_228 {strides = array<i32>} : memref<24x768xf32, #tpu.memory_space<vmem>>, vector<16xf32>,
          %get3A_232 = arith.index_cast %scan3A_41 : i32 to index
          %get3A_233 = arith.constant 432 : index
          %get3A_234 = tpu.vector_load %arg8[%get3A_232, %get3A_233] {strides = array<i32>} : memref<24x768xf32, #tpu.memory_space<vmem>>, vector<16xf32>,
          %mul3A_235 = arith.mulf %get3A_234, %get3A_32 : vector<16xf32>
          %swap3A_236 = arith.index_cast %scan3A_41 : i32 to index
          %swap3A_237 = arith.constant 432 : index
          %swap3A_238 = tpu.vector_load %arg8[%swap3A_236, %swap3A_237] {strides = array<i32>} : memref<24x768xf32, #tpu.memory_space<vmem>>, vector<16xf32>,
          tpu.vector_store %arg8[%swap3A_236, %swap3A_237], %mul3A_235 {strides = array<i32>} : memref<24x768xf32, #tpu.memory_space<vmem>>, vector<16xf32>,
          %get3A_239 = arith.index_cast %scan3A_41 : i32 to index
          %get3A_240 = arith.constant 448 : index
          %get3A_241 = tpu.vector_load %arg8[%get3A_239, %get3A_240] {strides = array<i32>} : memref<24x768xf32, #tpu.memory_space<vmem>>, vector<16xf32>,
          %mul3A_242 = arith.mulf %get3A_241, %get3A_32 : vector<16xf32>
          %swap3A_243 = arith.index_cast %scan3A_41 : i32 to index
          %swap3A_244 = arith.constant 448 : index
          %swap3A_245 = tpu.vector_load %arg8[%swap3A_243, %swap3A_244] {strides = array<i32>} : memref<24x768xf32, #tpu.memory_space<vmem>>, vector<16xf32>,
          tpu.vector_store %arg8[%swap3A_243, %swap3A_244], %mul3A_242 {strides = array<i32>} : memref<24x768xf32, #tpu.memory_space<vmem>>, vector<16xf32>,
          %get3A_246 = arith.index_cast %scan3A_41 : i32 to index
          %get3A_247 = arith.constant 464 : index
          %get3A_248 = tpu.vector_load %arg8[%get3A_246, %get3A_247] {strides = array<i32>} : memref<24x768xf32, #tpu.memory_space<vmem>>, vector<16xf32>,
          %mul3A_249 = arith.mulf %get3A_248, %get3A_32 : vector<16xf32>
          %swap3A_250 = arith.index_cast %scan3A_41 : i32 to index
          %swap3A_251 = arith.constant 464 : index
          %swap3A_252 = tpu.vector_load %arg8[%swap3A_250, %swap3A_251] {strides = array<i32>} : memref<24x768xf32, #tpu.memory_space<vmem>>, vector<16xf32>,
          tpu.vector_store %arg8[%swap3A_250, %swap3A_251], %mul3A_249 {strides = array<i32>} : memref<24x768xf32, #tpu.memory_space<vmem>>, vector<16xf32>,
          %get3A_253 = arith.index_cast %scan3A_41 : i32 to index
          %get3A_254 = arith.constant 480 : index
          %get3A_255 = tpu.vector_load %arg8[%get3A_253, %get3A_254] {strides = array<i32>} : memref<24x768xf32, #tpu.memory_space<vmem>>, vector<16xf32>,
          %mul3A_256 = arith.mulf %get3A_255, %get3A_32 : vector<16xf32>
          %swap3A_257 = arith.index_cast %scan3A_41 : i32 to index
          %swap3A_258 = arith.constant 480 : index
          %swap3A_259 = tpu.vector_load %arg8[%swap3A_257, %swap3A_258] {strides = array<i32>} : memref<24x768xf32, #tpu.memory_space<vmem>>, vector<16xf32>,
          tpu.vector_store %arg8[%swap3A_257, %swap3A_258], %mul3A_256 {strides = array<i32>} : memref<24x768xf32, #tpu.memory_space<vmem>>, vector<16xf32>,
          %get3A_260 = arith.index_cast %scan3A_41 : i32 to index
          %get3A_261 = arith.constant 496 : index
          %get3A_262 = tpu.vector_load %arg8[%get3A_260, %get3A_261] {strides = array<i32>} : memref<24x768xf32, #tpu.memory_space<vmem>>, vector<16xf32>,
          %mul3A_263 = arith.mulf %get3A_262, %get3A_32 : vector<16xf32>
          %swap3A_264 = arith.index_cast %scan3A_41 : i32 to index
          %swap3A_265 = arith.constant 496 : index
          %swap3A_266 = tpu.vector_load %arg8[%swap3A_264, %swap3A_265] {strides = array<i32>} : memref<24x768xf32, #tpu.memory_space<vmem>>, vector<16xf32>,
          tpu.vector_store %arg8[%swap3A_264, %swap3A_265], %mul3A_263 {strides = array<i32>} : memref<24x768xf32, #tpu.memory_space<vmem>>, vector<16xf32>,
          %get3A_267 = arith.index_cast %scan3A_41 : i32 to index
          %get3A_268 = arith.constant 512 : index
          %get3A_269 = tpu.vector_load %arg8[%get3A_267, %get3A_268] {strides = array<i32>} : memref<24x768xf32, #tpu.memory_space<vmem>>, vector<16xf32>,
          %mul3A_270 = arith.mulf %get3A_269, %get3A_32 : vector<16xf32>
          %swap3A_271 = arith.index_cast %scan3A_41 : i32 to index
          %swap3A_272 = arith.constant 512 : index
          %swap3A_273 = tpu.vector_load %arg8[%swap3A_271, %swap3A_272] {strides = array<i32>} : memref<24x768xf32, #tpu.memory_space<vmem>>, vector<16xf32>,
          tpu.vector_store %arg8[%swap3A_271, %swap3A_272], %mul3A_270 {strides = array<i32>} : memref<24x768xf32, #tpu.memory_space<vmem>>, vector<16xf32>,
          %get3A_274 = arith.index_cast %scan3A_41 : i32 to index
          %get3A_275 = arith.constant 528 : index
          %get3A_276 = tpu.vector_load %arg8[%get3A_274, %get3A_275] {strides = array<i32>} : memref<24x768xf32, #tpu.memory_space<vmem>>, vector<16xf32>,
          %mul3A_277 = arith.mulf %get3A_276, %get3A_32 : vector<16xf32>
          %swap3A_278 = arith.index_cast %scan3A_41 : i32 to index
          %swap3A_279 = arith.constant 528 : index
          %swap3A_280 = tpu.vector_load %arg8[%swap3A_278, %swap3A_279] {strides = array<i32>} : memref<24x768xf32, #tpu.memory_space<vmem>>, vector<16xf32>,
          tpu.vector_store %arg8[%swap3A_278, %swap3A_279], %mul3A_277 {strides = array<i32>} : memref<24x768xf32, #tpu.memory_space<vmem>>, vector<16xf32>,
          %get3A_281 = arith.index_cast %scan3A_41 : i32 to index
          %get3A_282 = arith.constant 544 : index
          %get3A_283 = tpu.vector_load %arg8[%get3A_281, %get3A_282] {strides = array<i32>} : memref<24x768xf32, #tpu.memory_space<vmem>>, vector<16xf32>,
          %mul3A_284 = arith.mulf %get3A_283, %get3A_32 : vector<16xf32>
          %swap3A_285 = arith.index_cast %scan3A_41 : i32 to index
          %swap3A_286 = arith.constant 544 : index
          %swap3A_287 = tpu.vector_load %arg8[%swap3A_285, %swap3A_286] {strides = array<i32>} : memref<24x768xf32, #tpu.memory_space<vmem>>, vector<16xf32>,
          tpu.vector_store %arg8[%swap3A_285, %swap3A_286], %mul3A_284 {strides = array<i32>} : memref<24x768xf32, #tpu.memory_space<vmem>>, vector<16xf32>,
          %get3A_288 = arith.index_cast %scan3A_41 : i32 to index
          %get3A_289 = arith.constant 560 : index
          %get3A_290 = tpu.vector_load %arg8[%get3A_288, %get3A_289] {strides = array<i32>} : memref<24x768xf32, #tpu.memory_space<vmem>>, vector<16xf32>,
          %mul3A_291 = arith.mulf %get3A_290, %get3A_32 : vector<16xf32>
          %swap3A_292 = arith.index_cast %scan3A_41 : i32 to index
          %swap3A_293 = arith.constant 560 : index
          %swap3A_294 = tpu.vector_load %arg8[%swap3A_292, %swap3A_293] {strides = array<i32>} : memref<24x768xf32, #tpu.memory_space<vmem>>, vector<16xf32>,
          tpu.vector_store %arg8[%swap3A_292, %swap3A_293], %mul3A_291 {strides = array<i32>} : memref<24x768xf32, #tpu.memory_space<vmem>>, vector<16xf32>,
          %get3A_295 = arith.index_cast %scan3A_41 : i32 to index
          %get3A_296 = arith.constant 576 : index
          %get3A_297 = tpu.vector_load %arg8[%get3A_295, %get3A_296] {strides = array<i32>} : memref<24x768xf32, #tpu.memory_space<vmem>>, vector<16xf32>,
          %mul3A_298 = arith.mulf %get3A_297, %get3A_32 : vector<16xf32>
          %swap3A_299 = arith.index_cast %scan3A_41 : i32 to index
          %swap3A_300 = arith.constant 576 : index
          %swap3A_301 = tpu.vector_load %arg8[%swap3A_299, %swap3A_300] {strides = array<i32>} : memref<24x768xf32, #tpu.memory_space<vmem>>, vector<16xf32>,
          tpu.vector_store %arg8[%swap3A_299, %swap3A_300], %mul3A_298 {strides = array<i32>} : memref<24x768xf32, #tpu.memory_space<vmem>>, vector<16xf32>,
          %get3A_302 = arith.index_cast %scan3A_41 : i32 to index
          %get3A_303 = arith.constant 592 : index
          %get3A_304 = tpu.vector_load %arg8[%get3A_302, %get3A_303] {strides = array<i32>} : memref<24x768xf32, #tpu.memory_space<vmem>>, vector<16xf32>,
          %mul3A_305 = arith.mulf %get3A_304, %get3A_32 : vector<16xf32>
          %swap3A_306 = arith.index_cast %scan3A_41 : i32 to index
          %swap3A_307 = arith.constant 592 : index
          %swap3A_308 = tpu.vector_load %arg8[%swap3A_306, %swap3A_307] {strides = array<i32>} : memref<24x768xf32, #tpu.memory_space<vmem>>, vector<16xf32>,
          tpu.vector_store %arg8[%swap3A_306, %swap3A_307], %mul3A_305 {strides = array<i32>} : memref<24x768xf32, #tpu.memory_space<vmem>>, vector<16xf32>,
          %get3A_309 = arith.index_cast %scan3A_41 : i32 to index
          %get3A_310 = arith.constant 608 : index
          %get3A_311 = tpu.vector_load %arg8[%get3A_309, %get3A_310] {strides = array<i32>} : memref<24x768xf32, #tpu.memory_space<vmem>>, vector<16xf32>,
          %mul3A_312 = arith.mulf %get3A_311, %get3A_32 : vector<16xf32>
          %swap3A_313 = arith.index_cast %scan3A_41 : i32 to index
          %swap3A_314 = arith.constant 608 : index
          %swap3A_315 = tpu.vector_load %arg8[%swap3A_313, %swap3A_314] {strides = array<i32>} : memref<24x768xf32, #tpu.memory_space<vmem>>, vector<16xf32>,
          tpu.vector_store %arg8[%swap3A_313, %swap3A_314], %mul3A_312 {strides = array<i32>} : memref<24x768xf32, #tpu.memory_space<vmem>>, vector<16xf32>,
          %get3A_316 = arith.index_cast %scan3A_41 : i32 to index
          %get3A_317 = arith.constant 624 : index
          %get3A_318 = tpu.vector_load %arg8[%get3A_316, %get3A_317] {strides = array<i32>} : memref<24x768xf32, #tpu.memory_space<vmem>>, vector<16xf32>,
          %mul3A_319 = arith.mulf %get3A_318, %get3A_32 : vector<16xf32>
          %swap3A_320 = arith.index_cast %scan3A_41 : i32 to index
          %swap3A_321 = arith.constant 624 : index
          %swap3A_322 = tpu.vector_load %arg8[%swap3A_320, %swap3A_321] {strides = array<i32>} : memref<24x768xf32, #tpu.memory_space<vmem>>, vector<16xf32>,
          tpu.vector_store %arg8[%swap3A_320, %swap3A_321], %mul3A_319 {strides = array<i32>} : memref<24x768xf32, #tpu.memory_space<vmem>>, vector<16xf32>,
          %get3A_323 = arith.index_cast %scan3A_41 : i32 to index
          %get3A_324 = arith.constant 640 : index
          %get3A_325 = tpu.vector_load %arg8[%get3A_323, %get3A_324] {strides = array<i32>} : memref<24x768xf32, #tpu.memory_space<vmem>>, vector<16xf32>,
          %mul3A_326 = arith.mulf %get3A_325, %get3A_32 : vector<16xf32>
          %swap3A_327 = arith.index_cast %scan3A_41 : i32 to index
          %swap3A_328 = arith.constant 640 : index
          %swap3A_329 = tpu.vector_load %arg8[%swap3A_327, %swap3A_328] {strides = array<i32>} : memref<24x768xf32, #tpu.memory_space<vmem>>, vector<16xf32>,
          tpu.vector_store %arg8[%swap3A_327, %swap3A_328], %mul3A_326 {strides = array<i32>} : memref<24x768xf32, #tpu.memory_space<vmem>>, vector<16xf32>,
          %get3A_330 = arith.index_cast %scan3A_41 : i32 to index
          %get3A_331 = arith.constant 656 : index
          %get3A_332 = tpu.vector_load %arg8[%get3A_330, %get3A_331] {strides = array<i32>} : memref<24x768xf32, #tpu.memory_space<vmem>>, vector<16xf32>,
          %mul3A_333 = arith.mulf %get3A_332, %get3A_32 : vector<16xf32>
          %swap3A_334 = arith.index_cast %scan3A_41 : i32 to index
          %swap3A_335 = arith.constant 656 : index
          %swap3A_336 = tpu.vector_load %arg8[%swap3A_334, %swap3A_335] {strides = array<i32>} : memref<24x768xf32, #tpu.memory_space<vmem>>, vector<16xf32>,
          tpu.vector_store %arg8[%swap3A_334, %swap3A_335], %mul3A_333 {strides = array<i32>} : memref<24x768xf32, #tpu.memory_space<vmem>>, vector<16xf32>,
          %get3A_337 = arith.index_cast %scan3A_41 : i32 to index
          %get3A_338 = arith.constant 672 : index
          %get3A_339 = tpu.vector_load %arg8[%get3A_337, %get3A_338] {strides = array<i32>} : memref<24x768xf32, #tpu.memory_space<vmem>>, vector<16xf32>,
          %mul3A_340 = arith.mulf %get3A_339, %get3A_32 : vector<16xf32>
          %swap3A_341 = arith.index_cast %scan3A_41 : i32 to index
          %swap3A_342 = arith.constant 672 : index
          %swap3A_343 = tpu.vector_load %arg8[%swap3A_341, %swap3A_342] {strides = array<i32>} : memref<24x768xf32, #tpu.memory_space<vmem>>, vector<16xf32>,
          tpu.vector_store %arg8[%swap3A_341, %swap3A_342], %mul3A_340 {strides = array<i32>} : memref<24x768xf32, #tpu.memory_space<vmem>>, vector<16xf32>,
          %get3A_344 = arith.index_cast %scan3A_41 : i32 to index
          %get3A_345 = arith.constant 688 : index
          %get3A_346 = tpu.vector_load %arg8[%get3A_344, %get3A_345] {strides = array<i32>} : memref<24x768xf32, #tpu.memory_space<vmem>>, vector<16xf32>,
          %mul3A_347 = arith.mulf %get3A_346, %get3A_32 : vector<16xf32>
          %swap3A_348 = arith.index_cast %scan3A_41 : i32 to index
          %swap3A_349 = arith.constant 688 : index
          %swap3A_350 = tpu.vector_load %arg8[%swap3A_348, %swap3A_349] {strides = array<i32>} : memref<24x768xf32, #tpu.memory_space<vmem>>, vector<16xf32>,
          tpu.vector_store %arg8[%swap3A_348, %swap3A_349], %mul3A_347 {strides = array<i32>} : memref<24x768xf32, #tpu.memory_space<vmem>>, vector<16xf32>,
          %get3A_351 = arith.index_cast %scan3A_41 : i32 to index
          %get3A_352 = arith.constant 704 : index
          %get3A_353 = tpu.vector_load %arg8[%get3A_351, %get3A_352] {strides = array<i32>} : memref<24x768xf32, #tpu.memory_space<vmem>>, vector<16xf32>,
          %mul3A_354 = arith.mulf %get3A_353, %get3A_32 : vector<16xf32>
          %swap3A_355 = arith.index_cast %scan3A_41 : i32 to index
          %swap3A_356 = arith.constant 704 : index
          %swap3A_357 = tpu.vector_load %arg8[%swap3A_355, %swap3A_356] {strides = array<i32>} : memref<24x768xf32, #tpu.memory_space<vmem>>, vector<16xf32>,
          tpu.vector_store %arg8[%swap3A_355, %swap3A_356], %mul3A_354 {strides = array<i32>} : memref<24x768xf32, #tpu.memory_space<vmem>>, vector<16xf32>,
          %get3A_358 = arith.index_cast %scan3A_41 : i32 to index
          %get3A_359 = arith.constant 720 : index
          %get3A_360 = tpu.vector_load %arg8[%get3A_358, %get3A_359] {strides = array<i32>} : memref<24x768xf32, #tpu.memory_space<vmem>>, vector<16xf32>,
          %mul3A_361 = arith.mulf %get3A_360, %get3A_32 : vector<16xf32>
          %swap3A_362 = arith.index_cast %scan3A_41 : i32 to index
          %swap3A_363 = arith.constant 720 : index
          %swap3A_364 = tpu.vector_load %arg8[%swap3A_362, %swap3A_363] {strides = array<i32>} : memref<24x768xf32, #tpu.memory_space<vmem>>, vector<16xf32>,
          tpu.vector_store %arg8[%swap3A_362, %swap3A_363], %mul3A_361 {strides = array<i32>} : memref<24x768xf32, #tpu.memory_space<vmem>>, vector<16xf32>,
          %get3A_365 = arith.index_cast %scan3A_41 : i32 to index
          %get3A_366 = arith.constant 736 : index
          %get3A_367 = tpu.vector_load %arg8[%get3A_365, %get3A_366] {strides = array<i32>} : memref<24x768xf32, #tpu.memory_space<vmem>>, vector<16xf32>,
          %mul3A_368 = arith.mulf %get3A_367, %get3A_32 : vector<16xf32>
          %swap3A_369 = arith.index_cast %scan3A_41 : i32 to index
          %swap3A_370 = arith.constant 736 : index
          %swap3A_371 = tpu.vector_load %arg8[%swap3A_369, %swap3A_370] {strides = array<i32>} : memref<24x768xf32, #tpu.memory_space<vmem>>, vector<16xf32>,
          tpu.vector_store %arg8[%swap3A_369, %swap3A_370], %mul3A_368 {strides = array<i32>} : memref<24x768xf32, #tpu.memory_space<vmem>>, vector<16xf32>,
          %get3A_372 = arith.index_cast %scan3A_41 : i32 to index
          %get3A_373 = arith.constant 752 : index
          %get3A_374 = tpu.vector_load %arg8[%get3A_372, %get3A_373] {strides = array<i32>} : memref<24x768xf32, #tpu.memory_space<vmem>>, vector<16xf32>,
          %mul3A_375 = arith.mulf %get3A_374, %get3A_32 : vector<16xf32>
          %swap3A_376 = arith.index_cast %scan3A_41 : i32 to index
          %swap3A_377 = arith.constant 752 : index
          %swap3A_378 = tpu.vector_load %arg8[%swap3A_376, %swap3A_377] {strides = array<i32>} : memref<24x768xf32, #tpu.memory_space<vmem>>, vector<16xf32>,
          tpu.vector_store %arg8[%swap3A_376, %swap3A_377], %mul3A_375 {strides = array<i32>} : memref<24x768xf32, #tpu.memory_space<vmem>>, vector<16xf32>,
          %scan3A_379 = arith.constant 0 : i32
          scf.yield %scan3A_379 : i32
        }
        %scan3A_39 = arith.constant 24 : i32
        "tpu.region"() ({
          %run_scoped3A = tpu.sem_alloc : memref<!tpu.dma_semaphore, #tpu.memory_space<semaphore_mem>>
          %dma_start3A = arith.constant 0 : i32
          %dma_start3A_41 = arith.constant 0 : i32
          %dma_start3A_42 = tpu.memref_slice %arg5[%add3A_20, %scan3A_29, %dma_start3A, %dma_start3A_41] : memref<64x24x24x768xf32, #tpu.memory_space<hbm>> -> memref<1x1x24x768xf32, #tpu.memory_space<hbm>>
          %dma_start3A_43 = tpu.memref_squeeze %dma_start3A_42 : memref<1x1x24x768xf32, #tpu.memory_space<hbm>> -> memref<24x768xf32, #tpu.memory_space<hbm>>
          %dma_start3A_44 = arith.constant 0 : i32
          %dma_start3A_45 = arith.constant 0 : i32
          %dma_start3A_46 = tpu.memref_slice %arg5[%add3A_20, %scan3A_29, %dma_start3A_44, %dma_start3A_45] : memref<64x24x24x768xf32, #tpu.memory_space<hbm>> -> memref<1x1x24x768xf32, #tpu.memory_space<hbm>>
          %dma_start3A_47 = tpu.memref_squeeze %dma_start3A_46 : memref<1x1x24x768xf32, #tpu.memory_space<hbm>> -> memref<24x768xf32, #tpu.memory_space<hbm>>
          tpu.enqueue_dma source(%arg8 : memref<24x768xf32, #tpu.memory_space<vmem>>) target(%dma_start3A_47 : memref<24x768xf32, #tpu.memory_space<hbm>>) target_semaphore(%run_scoped3A : memref<!tpu.dma_semaphore, #tpu.memory_space<semaphore_mem>>)
          %dma_wait3A = arith.constant 0 : i32
          %dma_wait3A_48 = arith.constant 0 : i32
          %dma_wait3A_49 = tpu.memref_slice %arg5[%add3A_20, %scan3A_29, %dma_wait3A, %dma_wait3A_48] : memref<64x24x24x768xf32, #tpu.memory_space<hbm>> -> memref<1x1x24x768xf32, #tpu.memory_space<hbm>>
          %dma_wait3A_50 = tpu.memref_squeeze %dma_wait3A_49 : memref<1x1x24x768xf32, #tpu.memory_space<hbm>> -> memref<24x768xf32, #tpu.memory_space<hbm>>
          %dma_wait3A_51 = arith.constant 0 : i32
          %dma_wait3A_52 = arith.constant 0 : i32
          %dma_wait3A_53 = tpu.memref_slice %arg5[%add3A_20, %scan3A_29, %dma_wait3A_51, %dma_wait3A_52] : memref<64x24x24x768xf32, #tpu.memory_space<hbm>> -> memref<1x1x24x768xf32, #tpu.memory_space<hbm>>
          %dma_wait3A_54 = tpu.memref_squeeze %dma_wait3A_53 : memref<1x1x24x768xf32, #tpu.memory_space<hbm>> -> memref<24x768xf32, #tpu.memory_space<hbm>>
          tpu.wait_dma2 semaphore(%run_scoped3A : memref<!tpu.dma_semaphore, #tpu.memory_space<semaphore_mem>>) src(%arg8 : memref<24x768xf32, #tpu.memory_space<vmem>>) dst(%dma_wait3A_54 : memref<24x768xf32, #tpu.memory_space<hbm>>)
          tpu.yield
        }) : () -> ()
        %scan3A_40 = arith.constant 0 : i32
        scf.yield %scan3A_40 : i32
      }
      %scan3A_27 = arith.constant 24 : i32
      %scan3A_28 = arith.constant 0 : i32
      scf.yield %scan3A_28 : i32
    }
    %scan3A_15 = arith.constant 2 : i32
    return
  }
}

</mosaic_0001>

<sc_bundles>
// kernel: kernel.3.cloned.1.call-start
scs
__scs_entry_jumppad:
0x0: {  	(pc) =	sbr.rel $0x88, $3  }
0x1: {  	(tag) =	ssettag $0x0;
	lr =	simm.s32 $0x1  }
0x2: {  	[smem:$0x3F9E] =	sst lr;
	_ =	strace $0xD0000000  }
0x3: {  	_ = 	snop  }
0x4: {  	_ = 	snop  }
0x5: {  	_ = 	snop  }
0x6: {  	_ = 	snop  }
0x7: {  	_ = 	snop  }
__scs_overlays_trampoline_lowered:
0x8: {  	[smem:$0x3FAD] =	sst s0  }
0x9: {  	[smem:$0x3FAE] =	sst s1  }
0xa: {  	[smem:$0x3FAF] =	sst s2  }
0xb: {  	[smem:$0x3FB0] =	sst s3  }
0xc: {  	[smem:$0x3FB1] =	sst s4  }
0xd: {  	[smem:$0x3FB2] =	sst s5  }
0xe: {  	[smem:$0x3FB3] =	sst s6  }
0xf: {  	[smem:$0x3FB4] =	sst s7  }
0x10: {  	[smem:$0x3FB5] =	sst s8  }
0x11: {  	[smem:$0x3FB6] =	sst s9;
	s0 =	simm.s32 @!p0 $0x0  }
0x12: {  	s1 =	sld [smem:$0x3F9C];
	s0 =	simm.s32 @p0 $0x1  }
0x13: {  	[smem:$0x3FB7] =	sst s0;
	s0 =	simm.s32 @!p1 $0x0  }
0x14: {  	s2 =	sld [smem:$0x3F9B];
	s0 =	simm.s32 @p1 $0x1  }
0x15: {  	[smem:$0x3FB8] =	sst s0;
	s0 =	simm.s32 @!p2 $0x0  }
0x16: {  	s3 =	sld [smem:$0x3FDB];
	s0 =	simm.s32 @p2 $0x1  }
0x17: {  	s4 =	simm.s32 $0x1BF5;
	[smem:$0x3FBA] =	sst s0  }
0x18: {  	s0 =	sld [smem:$0x3F9D];
	_ =	swait.ge [sflag:s4], $0x0  }
0x19: {  	s7 =	sld [smem:$0x3F9E]  }
0x1a: {  	s8 =	sadd.s32 $0xFFFFE003, lr  }
0x1b: {  	s9 =	sadd.s32 $0xFFFFFEF7, lr;
	s5 =	simm.s32 $0xFFFFFFFF;
	p2 =	slt.u32 s8, $0xFFFFF086  }
0x1c: {  	p1 =	slt.u32 s9, $0xF7A;
	s5 =	simm.s32 @!p2 $0x0  }
0x1d: {  	s5 =	simm.s32 @p1 $0x1;
	p0 =	seq.s32 s7, s2  }
0x1e: {  	s7 =	smul.u32 @!p0 $0xF7A, s2;
	p2 =	seq.s32 @!p0 s5, $0x0  }
0x1f: {  	s9 =	smul.u32 $0xF7A, s1;
	s8 =	simm.s32 @!p0 $0x1BF5;
	p2 =	por !p2, p0  }
0x20: {  	[sflag:s8] =	ssyncset.s32 @!p0 $0xFFFFF086;
	s6 =	sadd.s32 @!p0 s3, s7;
	s7 =	simm.s32 @!p0 $0x108  }
0x21: {  	s3 =	sadd.s32 s3, s9;
	s6 =	sadd.s32 @!p0 $0x88, s6;
	s7 =	simm.s32 @p2 $0x1082  }
0x22: {  	[simem:s7], [sflag:s8] =	dma.local @!p0 [hbm:s6], $0xF7A  }
0x23: {  	s9 =	sor.u32 $0xD0000000, s2;
	s6 =	simm.s32 $0x108;
	_ =	swait.ge @!p0 [sflag:s8], $0x0  }
0x24: {  	s3 =	sadd.s32 $0x88, s3;
	s6 =	simm.s32 @!p1 $0x1082;
	[sflag:s4] =	ssyncset.s32 $0xFFFFF086  }
0x25: {  	[simem:s6], [sflag:s4] =	dma.local [hbm:s3], $0xF7A  }
0x26: {  	[smem:$0x3F9E] =	sst s1;
	(tag) =	ssettag s2;
	_ =	strace s9  }
0x27: {  	s1 =	sld [smem:$0x3FAE]  }
0x28: {  	s2 =	sld [smem:$0x3FAF]  }
0x29: {  	s4 =	sld [smem:$0x3FB1]  }
0x2a: {  	p0 =	seq.s32 s5, $0x0;
	s5 =	sld [smem:$0x3FB2]  }
0x2b: {  	s6 =	sld [smem:$0x3FB3]  }
0x2c: {  	s7 =	sld [smem:$0x3FB4]  }
0x2d: {  	s3 =	simm.s32 $0x108;
	s8 =	sld [smem:$0x3FB5]  }
0x2e: {  	s3 =	simm.s32 @!p0 $0x1082;
	s9 =	sld [smem:$0x3FB6]  }
0x2f: {  	lr =	sadd.s32 s0, s3;
	s0 =	sld [smem:$0x3FAD]  }
0x30: {  	s3 =	sld [smem:$0x3FB0]  }
0x31: {  	[smem:$0x3FB9] =	sst s10  }
0x32: {  	s10 =	sld [smem:$0x3FB7];
	_ =	sdelay $0x3  }
0x33: {  	p0 =	seq.s32 s10, $0x1;
	s10 =	sld [smem:$0x3FB9];
	_ =	sdelay $0x3  }
0x34: {  	[smem:$0x3FB9] =	sst s10  }
0x35: {  	s10 =	sld [smem:$0x3FB8];
	_ =	sdelay $0x3  }
0x36: {  	p1 =	seq.s32 s10, $0x1;
	s10 =	sld [smem:$0x3FB9];
	_ =	sdelay $0x3  }
0x37: {  	[smem:$0x3FB9] =	sst s10  }
0x38: {  	s10 =	sld [smem:$0x3FBA]  }
0x39: {  	_ = 	snop;
	(pc) =	sbr.ind lr, $3  }
0x3a: {  	_ = 	snop  }
0x3b: {  	_ = 	snop  }
0x3c: {  	p2 =	seq.s32 s10, $0x1;
	s10 =	sld [smem:$0x3FB9]  }
0x3d: {  	_ =	shalt  }
0x3e: {  	_ =	shalt  }
0x3f: {  	_ =	shalt  }
0x40: {  	_ =	shalt  }
0x41: {  	_ =	shalt  }
0x42: {  	_ =	shalt  }
0x43: {  	_ =	shalt  }
0x44: {  	_ =	shalt  }
0x45: {  	_ =	shalt  }
0x46: {  	_ =	shalt  }
0x47: {  	_ =	shalt  }
0x48: {  	_ =	shalt  }
0x49: {  	_ =	shalt  }
0x4a: {  	_ =	shalt  }
0x4b: {  	_ =	shalt  }
0x4c: {  	_ =	shalt  }
0x4d: {  	_ =	shalt  }
0x4e: {  	_ =	shalt  }
0x4f: {  	_ =	shalt  }
0x50: {  	_ =	shalt  }
0x51: {  	_ =	shalt  }
0x52: {  	_ =	shalt  }
0x53: {  	_ =	shalt  }
0x54: {  	_ =	shalt  }
0x55: {  	_ =	shalt  }
0x56: {  	_ =	shalt  }
0x57: {  	_ =	shalt  }
0x58: {  	_ =	shalt  }
0x59: {  	_ =	shalt  }
0x5a: {  	_ =	shalt  }
0x5b: {  	_ =	shalt  }
0x5c: {  	_ =	shalt  }
0x5d: {  	_ =	shalt  }
0x5e: {  	_ =	shalt  }
0x5f: {  	_ =	shalt  }
0x60: {  	_ =	shalt  }
0x61: {  	_ =	shalt  }
0x62: {  	_ =	shalt  }
0x63: {  	_ =	shalt  }
0x64: {  	_ =	shalt  }
0x65: {  	_ =	shalt  }
0x66: {  	_ =	shalt  }
0x67: {  	_ =	shalt  }
0x68: {  	_ =	shalt  }
0x69: {  	_ =	shalt  }
0x6a: {  	_ =	shalt  }
0x6b: {  	_ =	shalt  }
0x6c: {  	_ =	shalt  }
0x6d: {  	_ =	shalt  }
0x6e: {  	_ =	shalt  }
0x6f: {  	_ =	shalt  }
0x70: {  	_ =	shalt  }
0x71: {  	_ =	shalt  }
0x72: {  	_ =	shalt  }
0x73: {  	_ =	shalt  }
0x74: {  	_ =	shalt  }
0x75: {  	_ =	shalt  }
0x76: {  	_ =	shalt  }
0x77: {  	_ =	shalt  }
0x78: {  	_ =	shalt  }
0x79: {  	_ =	shalt  }
0x7a: {  	_ =	shalt  }
0x7b: {  	_ =	shalt  }
0x7c: {  	_ =	shalt  }
0x7d: {  	_ =	shalt  }
0x7e: {  	_ =	shalt  }
0x7f: {  	_ =	shalt  }
0x80: {  	_ =	shalt  }
0x81: {  	_ =	shalt  }
0x82: {  	_ =	shalt  }
0x83: {  	_ =	shalt  }
0x84: {  	_ =	shalt  }
0x85: {  	_ =	shalt  }
0x86: {  	_ =	shalt  }
0x87: {  	_ =	shalt  }
.Lfunc_end0:
.L_simem_size_0:
called_computation_lowered:
.L_overlay_start_0:
0x88: {  	s2 =	sld [smem:$0x3FD9]  }
0x89: {  	s3 =	sld [smem:$0x3FFE];
	_ =	sdelay $0x1  }
0x8a: {  	s1 =	srdreg.scid  }
0x8b: {  	s0 =	sand.u32 $0x1, s1  }
0x8c: {  	s17 =	sshll.u32 s0, $0xA;
	s2 =	sadd.s32 s3, s2  }
0x8d: {  	s2 =	sadd.s32 s2, s17  }
0x8e: {  	[smem:$0x3FC5] =	sst s2  }
0x8f: {  	_ = 	snop  }
0x90: {  	s2 =	sld [smem:$0x3FC8]  }
0x91: {  	s18 =	sld [smem:$0x3FD0];
	(tm) =	ssettm $0x1  }
0x92: {  	s4 =	sld [smem:$0x3FFB];
	_ =	sdelay $0x3  }
0x93: {  	_ =	strace s4  }
0x94: {  	s4 =	sld [smem:$0x3FFC];
	_ =	sdelay $0x3  }
0x95: {  	_ =	strace s4  }
0x96: {  	s4 =	sld [smem:$0x3FFD];
	_ =	sdelay $0x3  }
0x97: {  	_ =	strace s4  }
0x98: {  	_ =	strace $0x8FFFFFFF  }
0x99: {  	s19 =	sld [smem:$0x3FDB];
	_ =	sdelay $0x1  }
0x9a: {  	s5 =	simm.s32 $_scs_section_size  }
0x9b: {  	s6 =	simm.s32 $_size__tile_overlayer_lowered;
	s7 =	simm.s32 $_tile_overlayer_lowered  }
0x9c: {  	s22 =	simm.s32 $0x1BFF;
	s21 =	sshll.u32 s7, $0x1;
	s4 =	sadd.s32 s5, s19  }
0x9d: {  	s8 =	simm.s32 $0x0;
	s20 =	sshll.u32 s6, $0x1;
	s6 =	sadd.s32 s21, s4  }
0x9e: {  	[timem:s8], [sflag:s22] =	dma.local [hbm:s6], s20  }
0x9f: {  	_ =	swait.ge [sflag:s22], s20  }
0xa0: {  	s5 =	ssub.s32 $0x0, s20;
	[sflag:s22] =	ssyncset.done $0x0  }
0xa1: {  	[sflag:s22] =	ssyncadd.s32 s5;
	_ =	sdelay $0x1  }
0xa2: {  	s23 =	simm.s32 $0x1B8B  }
0xa3: {  	_ =	swait.ge [sflag:s23], $0x1  }
0xa4: {  	[sflag:s23] =	ssyncset.done $0x0  }
0xa5: {  	s25 =	simm.s32 $0x1B8E;
	s24 =	sld [smem:$0x3FFE];
	[sflag:s23] =	ssyncadd.s32 $0xFFFFFFFF  }
0xa6: {  	s26 =	simm.s32 $execute0_lowered;
	[smem:$0x3FD2] =	sst s25  }
0xa7: {  	s6 =	sshll.u32 s26, $0x1;
	_ =	strace $0x80000046;
	[dreg:$0x1] =	wrdreg $0xFFFFFFFF  }
0xa8: {  	s28 =	simm.s32 $_size_execute0_lowered;
	s4 =	sadd.s32 s4, s6;
	[dreg:$0x0] =	wrdreg $0x0  }
0xa9: {  	s6 =	sshll.u32 s28, $0x1;
	[dreg:$0x2] =	wrdreg s4  }
0xaa: {  	[dreg:$0x3] =	wrdreg s6  }
0xab: {  	[dreg:$0x4] =	wrdreg $0xC0  }
0xac: {  	_ =	task [dreg:s8], $0x5FFFF  }
0xad: {  	[dreg:$0x1] =	wrdreg $0xFFFFFFFF  }
0xae: {  	[dreg:$0x0] =	wrdreg $0x60  }
0xaf: {  	[dreg:$0x2] =	wrdreg s24  }
0xb0: {  	[dreg:$0x3] =	wrdreg s2  }
0xb1: {  	[dreg:$0x4] =	wrdreg s18  }
0xb2: {  	[dreg:$0x5] =	wrdreg $0x9  }
0xb3: {  	_ =	task.clear_ibuf [dreg:s8], $0x6FFFF;
	_ =	strace $0x90000046  }
0xb4: {  	s29 =	simm.s32 $0x9;
	_ =	strace $0x80000048  }
0xb5: {  	_ =	swait.ge [sflag:s29], $0x1  }
0xb6: {  	[sflag:s29] =	ssyncadd.s32 $0xFFFFFFFF  }
0xb7: {  	_ =	strace $0x90000048  }
0xb8: {  	_ =	sfence  }
0xb9: {  	s30 =	sld [smem:$0x0];
	_ =	sdelay $0x2  }
0xba: {  	s31 =	sshll.u32 s1, $0xD;
	s1 =	sshrl.u32 s1, $0x2  }
0xbb: {  	s3 =	sand.u32 $0x4000, s31;
	s1 =	sadd.s32 s1, s30  }
0xbc: {  	s0 =	sor.u32 s3, s0;
	s1 =	sshll.u32 s1, $0x11  }
0xbd: {  	s0 =	sor.u32 s1, s0  }
0xbe: {  	s0 =	sadd.s32 $0x8F2B, s0  }
0xbf: {  	[sflag:s0] =	ssyncadd.remote.s32 $0x1  }
0xc0: {  	_ =	sfence.sel $0xFFFF  }
0xc1: {  	[dreg:$0x0] =	wrdreg $0xFFFFFFFF;
	(pc) =	sbr.abs _section_cstart, $3  }
0xc2: {  	[dreg:$0x1] =	wrdreg $0xFFFFFFFF  }
0xc3: {  	_ =	task.clear_ibuf [dreg:s8], $0x2FFFF;
	_ =	strace $0x9FFFFFFF  }
0xc4: {  	(tm) =	ssettm $0x7FFFFFFF  }
0xc5: {  	_ =	shalt  }
tec
execute0_lowered:
.L_overlay_start_1:
0x0: {  	(tag) =	ssettag $0x1  }
0x1: {  	s4 =	rddreg [dreg:$0x0]  }
0x2: {  	s1 =	rddreg [dreg:$0x1]  }
0x3: {  	s2 =	rddreg [dreg:$0x2]  }
0x4: {  	s0 =	rddreg [dreg:$0x3];
	s3 =	simm.s32 $0x0;
	s5 =	srdreg.scid  }
0x5: {  	s10 =	simm.s32 $0x80;
	s11 =	simm.s32 $0x100;
	s12 =	simm.s32 $0x0  }
0x6: {  	s14 =	simm.s32 $0x0;
	[smem:$0x7FF] =	sst s3;
	s7 =	sand.u32 $0x1, s5  }
0x7: {  	s5 =	sadd.s32 $0x600, s4;
	s6 =	sadd.s32 $0x400, s4;
	s8 =	ssub.s32 $0x2, s7  }
0x8: {  	s4 =	stileid.u32;
	_ =	strace $0x80000047;
	s9 =	sshrl.u32 s8, $0x1  }
0x9: {  	s31 =	sshll.u32 s4, $0x2;
	s7 =	sshll.u32 s7, $0x1;
	s8 =	ssub.s32 s8, s9  }
0xa: {  	s7 =	sor.u32 s7, s31;
	s9 =	simm.s32 $0x1;
	s8 =	smax.u32 s8, $0x1  }
.LBB2_1:
0xb: {  	[tilespmem:s3], [sflag:$0x1] =	stream.linear.gather [hbm4b:s5+s3], $0x80, $0x38;
	[tilespmem:$0x4980] =	vst v63  }
0xc: {  	_ =	swait.ge [sflag:s9], $0x80  }
0xd: {  	[sflag:s9] =	ssyncset.done $0x0  }
0xe: {  	[sflag:s9] =	ssyncadd.s32 $0xFFFFFF80  }
0xf: {  	[tilespmem:s10], [sflag:$0x1] =	stream.linear.gather [hbm4b:s6+s3], $0x80, $0x38;
	[tilespmem:$0x4980] =	vst v63  }
0x10: {  	_ =	swait.ge [sflag:s9], $0x80  }
0x11: {  	[sflag:s9] =	ssyncset.done $0x0  }
0x12: {  	[sflag:s9] =	ssyncadd.s32 $0xFFFFFF80  }
0x13: {  	v0 =	vld [tilespmem:$0x0];
	_ =	sdelay $0x7  }
0x14: {  	v0 =	vld.idx.msk [tilespmem:v0+s10+$0x0], $0xffff;
	_ =	sdelay $0x4  }
0x15: {  	v0 =	vsub.f32 $0.0e+00, v0;
	_ =	sdelay $0x1  }
0x16: {  	v0 =	vmul.f32 $1.442695020e+00, v0;
	_ =	sdelay $0x1  }
0x17: {  	(erf) = vpow2.f32 v0;
	_ =	sdelay $0x8  }
0x18: {  	v0 =	vpop (erf)  }
0x19: {  	v0 =	vadd.f32 $1.000000000e+00, v0;
	_ =	sdelay $0x1  }
0x1a: {  	(erf) = vrcp.f32 v0;
	_ =	sdelay $0x8  }
0x1b: {  	v0 =	vpop (erf)  }
0x1c: {  	p1 =	por $0x1, $0x1;
	s13 =	simm.s32 $0x0;
	[tilespmem:$0x4900] =	vst v0  }
.LBB2_2:
0x1d: {  	s13 =	sor.u32 s7, s13  }
0x1e: {  	p0 =	por p1, p1;
	s15 =	simm.s32 $0x0;
	s13 =	smul.u32 $0x6C000, s13  }
.LBB2_3:
0x1f: {  	s16 =	smul.u32 $0x4800, s15;
	_ =	sdelay $0x1  }
0x20: {  	s16 =	sadd.s32 s13, s16  }
0x21: {  	s16 =	sshrl.u32 s16, $0x3  }
0x22: {  	s31 =	simm.s32 $0x0;
	s17 =	sadd.s32 s1, s16  }
0x23: {  	[tilespmem:s11], [sflag:$0x1] =	stream.linear.gather [hbm4b:s17+s14], $0x4800, $0x38;
	[tilespmem:$0x4980] =	vst v63  }
0x24: {  	s17 =	smul.u32 $0x6000, s31;
	_ =	swait.ge [sflag:s9], $0x4800  }
0x25: {  	[sflag:s9] =	ssyncset.done $0x0  }
0x26: {  	s18 =	sand.u32 $0x380, s14;
	s17 =	sshra.s32 s17, $0x2;
	[sflag:s9] =	ssyncadd.s32 $0xFFFFB800  }
0x27: {  	s17 =	sor.u32 s18, s17;
	v0 =	vld [tilespmem:$0x4900]  }
0x28: {  	v1 =	vld [tilespmem:s17+$0x100]  }
0x29: {  	v2 =	vld [tilespmem:s17+$0x110]  }
0x2a: {  	v3 =	vld [tilespmem:s17+$0x120]  }
0x2b: {  	v4 =	vld [tilespmem:s17+$0x130]  }
0x2c: {  	v5 =	vld [tilespmem:s17+$0x140]  }
0x2d: {  	v6 =	vld [tilespmem:s17+$0x150];
	v1 =	vmul.f32 v1, v0  }
0x2e: {  	v7 =	vld [tilespmem:s17+$0x160];
	v2 =	vmul.f32 v2, v0  }
0x2f: {  	[tilespmem:s17+$0x100] =	vst v1;
	v1 =	vmul.f32 v3, v0;
	v3 =	vld [tilespmem:s17+$0x170]  }
0x30: {  	[tilespmem:s17+$0x110] =	vst v2;
	v2 =	vmul.f32 v4, v0;
	v4 =	vld [tilespmem:s17+$0x500]  }
0x31: {  	[tilespmem:s17+$0x120] =	vst v1;
	v1 =	vmul.f32 v5, v0;
	v5 =	vld [tilespmem:s17+$0x510]  }
0x32: {  	[tilespmem:s17+$0x130] =	vst v2;
	v2 =	vmul.f32 v6, v0;
	v6 =	vld [tilespmem:s17+$0x520];
	_ =	sdelay $0x1  }
0x33: {  	[tilespmem:s17+$0x140] =	vst v1;
	v1 =	vmul.f32 v7, v0;
	v7 =	vld [tilespmem:s17+$0x570]  }
0x34: {  	[tilespmem:s17+$0x150] =	vst v2;
	v2 =	vmul.f32 v3, v0;
	v3 =	vld [tilespmem:s17+$0x530]  }
0x35: {  	[tilespmem:s17+$0x160] =	vst v1;
	v1 =	vmul.f32 v4, v0;
	v4 =	vld [tilespmem:s17+$0x540]  }
0x36: {  	[tilespmem:s17+$0x170] =	vst v2;
	v2 =	vmul.f32 v5, v0;
	v5 =	vmul.f32 v6, v0;
	v6 =	vld [tilespmem:s17+$0x560]  }
0x37: {  	[tilespmem:s17+$0x500] =	vst v1;
	v1 =	vld [tilespmem:s17+$0x550]  }
0x38: {  	[tilespmem:s17+$0x510] =	vst v2;
	v2 =	vld [tilespmem:s17+$0x900];
	v7 =	vmul.f32 v7, v0  }
0x39: {  	[tilespmem:s17+$0x520] =	vst v5;
	v5 =	vld [tilespmem:s17+$0x910];
	v3 =	vmul.f32 v3, v0  }
0x3a: {  	v4 =	vmul.f32 v4, v0;
	[tilespmem:s17+$0x570] =	vst v7  }
0x3b: {  	[tilespmem:s17+$0x530] =	vst v3;
	v3 =	vld [tilespmem:s17+$0x920];
	v6 =	vmul.f32 v6, v0  }
0x3c: {  	v1 =	vmul.f32 v1, v0;
	[tilespmem:s17+$0x540] =	vst v4;
	v4 =	vld [tilespmem:s17+$0x930]  }
0x3d: {  	v7 =	vld [tilespmem:s17+$0x970];
	[tilespmem:s17+$0x560] =	vst v6;
	v2 =	vmul.f32 v2, v0  }
0x3e: {  	v5 =	vmul.f32 v5, v0;
	[tilespmem:s17+$0x550] =	vst v1;
	v1 =	vld [tilespmem:s17+$0x940]  }
0x3f: {  	v6 =	vld [tilespmem:s17+$0x950];
	[tilespmem:s17+$0x900] =	vst v2  }
0x40: {  	[tilespmem:s17+$0x910] =	vst v5;
	v5 =	vld [tilespmem:s17+$0x960];
	v2 =	vmul.f32 v3, v0  }
0x41: {  	v3 =	vld [tilespmem:s17+$0xD00];
	v4 =	vmul.f32 v4, v0  }
0x42: {  	[tilespmem:s17+$0x920] =	vst v2;
	v2 =	vld [tilespmem:s17+$0xD10]  }
0x43: {  	v1 =	vmul.f32 v1, v0;
	[tilespmem:s17+$0x930] =	vst v4;
	v4 =	vld [tilespmem:s17+$0xD20]  }
0x44: {  	v6 =	vmul.f32 v6, v0  }
0x45: {  	v5 =	vmul.f32 v5, v0;
	[tilespmem:s17+$0x940] =	vst v1;
	v1 =	vld [tilespmem:s17+$0xD30]  }
0x46: {  	[tilespmem:s17+$0x950] =	vst v6;
	v6 =	vld [tilespmem:s17+$0xD40];
	v3 =	vmul.f32 v3, v0  }
0x47: {  	v7 =	vmul.f32 v7, v0;
	[tilespmem:s17+$0x960] =	vst v5;
	v5 =	vld [tilespmem:s17+$0xD50]  }
0x48: {  	v2 =	vmul.f32 v2, v0;
	[tilespmem:s17+$0xD00] =	vst v3;
	v3 =	vmul.f32 v4, v0;
	v4 =	vld [tilespmem:s17+$0xD60]  }
0x49: {  	[tilespmem:s17+$0x970] =	vst v7;
	v7 =	vld [tilespmem:s17+$0xD70]  }
0x4a: {  	[tilespmem:s17+$0xD10] =	vst v2;
	v2 =	vld [tilespmem:s17+$0x1100];
	v1 =	vmul.f32 v1, v0  }
0x4b: {  	v6 =	vmul.f32 v6, v0;
	[tilespmem:s17+$0xD20] =	vst v3;
	v3 =	vld [tilespmem:s17+$0x1110]  }
0x4c: {  	v5 =	vmul.f32 v5, v0;
	[tilespmem:s17+$0xD30] =	vst v1;
	v1 =	vld [tilespmem:s17+$0x1120]  }
0x4d: {  	[tilespmem:s17+$0xD40] =	vst v6;
	v6 =	vld [tilespmem:s17+$0x1130];
	v4 =	vmul.f32 v4, v0  }
0x4e: {  	v8 =	vld [tilespmem:s17+$0x1140];
	[tilespmem:s17+$0xD50] =	vst v5;
	v5 =	vmul.f32 v7, v0  }
0x4f: {  	v9 =	vld [tilespmem:s17+$0x1150];
	v2 =	vmul.f32 v2, v0;
	[tilespmem:s17+$0xD60] =	vst v4  }
0x50: {  	[tilespmem:s17+$0xD70] =	vst v5;
	v3 =	vmul.f32 v3, v0;
	v4 =	vld [tilespmem:s17+$0x1160]  }
0x51: {  	v5 =	vld [tilespmem:s17+$0x1170];
	[tilespmem:s17+$0x1100] =	vst v2;
	v1 =	vmul.f32 v1, v0  }
0x52: {  	v2 =	vld [tilespmem:s17+$0x1500];
	[tilespmem:s17+$0x1110] =	vst v3;
	v3 =	vmul.f32 v6, v0  }
0x53: {  	v7 =	vmul.f32 v8, v0;
	[tilespmem:s17+$0x1120] =	vst v1;
	v1 =	vld [tilespmem:s17+$0x1510]  }
0x54: {  	s19 =	simm.s32 $0x0;
	s18 =	simm.s32 $0x1;
	v6 =	vmul.f32 v9, v0;
	[tilespmem:s17+$0x1130] =	vst v3;
	v3 =	vld [tilespmem:s17+$0x1520]  }
.LBB2_4:
0x55: {  	s20 =	sshrl.u32 s18, $0x3;
	p1 =	sne.s32 s18, $0x17;
	[tilespmem:s17+$0x1140] =	vst v7;
	v4 =	vmul.f32 v4, v0;
	v7 =	vld [tilespmem:s17+$0x1530]  }
0x56: {  	s20 =	smul.u32 $0x6000, s20;
	[tilespmem:s17+$0x1150] =	vst v6;
	v5 =	vmul.f32 v5, v0;
	v6 =	vld [tilespmem:s17+$0x1540]  }
0x57: {  	s19 =	sadd.s32 $0x80, s19;
	[tilespmem:s17+$0x1160] =	vst v4;
	v2 =	vmul.f32 v2, v0;
	v4 =	vld [tilespmem:s17+$0x1550]  }
0x58: {  	s21 =	sand.u32 $0x380, s19;
	s20 =	sshra.s32 s20, $0x2;
	[tilespmem:s17+$0x1170] =	vst v5;
	v1 =	vmul.f32 v1, v0;
	v5 =	vld [tilespmem:s17+$0x1560]  }
0x59: {  	s20 =	sor.u32 s21, s20;
	[tilespmem:s17+$0x1500] =	vst v2;
	v2 =	vmul.f32 v3, v0;
	v3 =	vld [tilespmem:s17+$0x1570]  }
0x5a: {  	v8 =	vld [tilespmem:s20+$0x100];
	[tilespmem:s17+$0x1510] =	vst v1;
	v1 =	vmul.f32 v7, v0  }
0x5b: {  	v7 =	vld [tilespmem:s20+$0x110];
	[tilespmem:s17+$0x1520] =	vst v2;
	v2 =	vmul.f32 v6, v0  }
0x5c: {  	v6 =	vld [tilespmem:s20+$0x120];
	[tilespmem:s17+$0x1530] =	vst v1;
	v1 =	vmul.f32 v4, v0  }
0x5d: {  	v4 =	vld [tilespmem:s20+$0x130];
	[tilespmem:s17+$0x1540] =	vst v2;
	v2 =	vmul.f32 v5, v0  }
0x5e: {  	v5 =	vld [tilespmem:s20+$0x140];
	[tilespmem:s17+$0x1550] =	vst v1;
	v1 =	vmul.f32 v3, v0  }
0x5f: {  	v3 =	vmul.f32 v8, v0;
	v8 =	vld [tilespmem:s20+$0x150];
	[tilespmem:s17+$0x1560] =	vst v2  }
0x60: {  	v2 =	vmul.f32 v7, v0;
	v7 =	vld [tilespmem:s20+$0x160];
	[tilespmem:s17+$0x1570] =	vst v1;
	s17 =	smov.u32 s20  }
0x61: {  	[tilespmem:s17+$0x100] =	vst v3;
	v1 =	vmul.f32 v6, v0;
	v3 =	vld [tilespmem:s17+$0x170]  }
0x62: {  	[tilespmem:s17+$0x110] =	vst v2;
	v2 =	vmul.f32 v4, v0;
	v4 =	vld [tilespmem:s17+$0x500]  }
0x63: {  	[tilespmem:s17+$0x120] =	vst v1;
	v1 =	vmul.f32 v5, v0;
	v5 =	vld [tilespmem:s17+$0x510]  }
0x64: {  	[tilespmem:s17+$0x130] =	vst v2;
	v2 =	vmul.f32 v8, v0;
	v6 =	vld [tilespmem:s17+$0x520]  }
0x65: {  	[tilespmem:s17+$0x140] =	vst v1;
	v1 =	vmul.f32 v7, v0;
	v7 =	vld [tilespmem:s17+$0x530]  }
0x66: {  	[tilespmem:s17+$0x150] =	vst v2;
	v2 =	vmul.f32 v3, v0;
	v3 =	vld [tilespmem:s17+$0x540]  }
0x67: {  	[tilespmem:s17+$0x160] =	vst v1;
	v1 =	vmul.f32 v4, v0;
	v4 =	vld [tilespmem:s17+$0x550]  }
0x68: {  	[tilespmem:s17+$0x170] =	vst v2;
	v2 =	vmul.f32 v5, v0;
	v5 =	vld [tilespmem:s17+$0x560]  }
0x69: {  	[tilespmem:s17+$0x500] =	vst v1;
	v1 =	vmul.f32 v6, v0;
	v6 =	vld [tilespmem:s17+$0x570]  }
0x6a: {  	[tilespmem:s17+$0x510] =	vst v2;
	v2 =	vmul.f32 v7, v0;
	v7 =	vld [tilespmem:s17+$0x900]  }
0x6b: {  	[tilespmem:s17+$0x520] =	vst v1;
	v1 =	vmul.f32 v3, v0;
	v3 =	vld [tilespmem:s17+$0x910]  }
0x6c: {  	[tilespmem:s17+$0x530] =	vst v2;
	v2 =	vmul.f32 v4, v0;
	v4 =	vld [tilespmem:s17+$0x920]  }
0x6d: {  	[tilespmem:s17+$0x540] =	vst v1;
	v1 =	vmul.f32 v5, v0;
	v5 =	vld [tilespmem:s17+$0x930]  }
0x6e: {  	[tilespmem:s17+$0x550] =	vst v2;
	v2 =	vmul.f32 v6, v0;
	v6 =	vld [tilespmem:s17+$0x940]  }
0x6f: {  	[tilespmem:s17+$0x560] =	vst v1;
	v1 =	vmul.f32 v7, v0;
	v7 =	vld [tilespmem:s17+$0x950]  }
0x70: {  	[tilespmem:s17+$0x570] =	vst v2;
	v2 =	vmul.f32 v3, v0;
	v3 =	vld [tilespmem:s17+$0x960]  }
0x71: {  	[tilespmem:s17+$0x900] =	vst v1;
	v1 =	vmul.f32 v4, v0;
	v4 =	vld [tilespmem:s17+$0x970]  }
0x72: {  	[tilespmem:s17+$0x910] =	vst v2;
	v2 =	vmul.f32 v5, v0;
	v5 =	vld [tilespmem:s17+$0xD00]  }
0x73: {  	[tilespmem:s17+$0x920] =	vst v1;
	v1 =	vmul.f32 v6, v0;
	v6 =	vld [tilespmem:s17+$0xD10]  }
0x74: {  	[tilespmem:s17+$0x930] =	vst v2;
	v2 =	vmul.f32 v7, v0;
	v7 =	vld [tilespmem:s17+$0xD20]  }
0x75: {  	[tilespmem:s17+$0x940] =	vst v1;
	v1 =	vmul.f32 v3, v0;
	v3 =	vld [tilespmem:s17+$0xD30]  }
0x76: {  	[tilespmem:s17+$0x950] =	vst v2;
	v2 =	vmul.f32 v4, v0;
	v4 =	vld [tilespmem:s17+$0xD40]  }
0x77: {  	[tilespmem:s17+$0x960] =	vst v1;
	v1 =	vmul.f32 v5, v0;
	v5 =	vld [tilespmem:s17+$0xD50]  }
0x78: {  	[tilespmem:s17+$0x970] =	vst v2;
	v2 =	vmul.f32 v6, v0;
	v6 =	vld [tilespmem:s17+$0xD60]  }
0x79: {  	[tilespmem:s17+$0xD00] =	vst v1;
	v1 =	vmul.f32 v7, v0;
	v7 =	vld [tilespmem:s17+$0xD70]  }
0x7a: {  	[tilespmem:s17+$0xD10] =	vst v2;
	v2 =	vmul.f32 v3, v0;
	v3 =	vld [tilespmem:s17+$0x1100]  }
0x7b: {  	[tilespmem:s17+$0xD20] =	vst v1;
	v1 =	vmul.f32 v4, v0;
	v4 =	vld [tilespmem:s17+$0x1110]  }
0x7c: {  	[tilespmem:s17+$0xD30] =	vst v2;
	v2 =	vmul.f32 v5, v0;
	v5 =	vld [tilespmem:s17+$0x1120]  }
0x7d: {  	[tilespmem:s17+$0xD40] =	vst v1;
	v1 =	vmul.f32 v6, v0;
	v6 =	vld [tilespmem:s17+$0x1130]  }
0x7e: {  	[tilespmem:s17+$0xD50] =	vst v2;
	v2 =	vmul.f32 v7, v0;
	v7 =	vld [tilespmem:s17+$0x1140]  }
0x7f: {  	[tilespmem:s17+$0xD60] =	vst v1;
	v1 =	vmul.f32 v3, v0;
	v3 =	vld [tilespmem:s17+$0x1150]  }
.Ltmp0:
0x80: {  	[tilespmem:s17+$0xD70] =	vst v2;
	v2 =	vmul.f32 v4, v0;
	v4 =	vld [tilespmem:s17+$0x1160];
	(pc) =	sbr.rel @p1 .LBB2_4-.Ltmp0, $4  }
0x81: {  	[tilespmem:s17+$0x1100] =	vst v1;
	v1 =	vmul.f32 v5, v0;
	v5 =	vld [tilespmem:s17+$0x1170]  }
0x82: {  	[tilespmem:s17+$0x1110] =	vst v2;
	v6 =	vmul.f32 v6, v0;
	v2 =	vld [tilespmem:s17+$0x1500]  }
0x83: {  	[tilespmem:s17+$0x1120] =	vst v1;
	v7 =	vmul.f32 v7, v0;
	v1 =	vld [tilespmem:s17+$0x1510]  }
0x84: {  	s18 =	sadd.s32 $0x1, s18;
	[tilespmem:s17+$0x1130] =	vst v6;
	v6 =	vmul.f32 v3, v0;
	v3 =	vld [tilespmem:s17+$0x1520]  }
0x85: {  	[tilespmem:s17+$0x1140] =	vst v7;
	v53 =	vld [tilespmem:s17+$0x1530];
	v4 =	vmul.f32 v4, v0  }
0x86: {  	v54 =	vld [tilespmem:s17+$0x1540];
	[tilespmem:s17+$0x1150] =	vst v6;
	v5 =	vmul.f32 v5, v0  }
0x87: {  	v55 =	vld [tilespmem:s17+$0x1550];
	[tilespmem:s17+$0x1160] =	vst v4;
	v2 =	vmul.f32 v2, v0  }
0x88: {  	v56 =	vld [tilespmem:s17+$0x1560];
	[tilespmem:s17+$0x1170] =	vst v5;
	v1 =	vmul.f32 v1, v0  }
0x89: {  	v58 =	vld [tilespmem:s17+$0x1570];
	[tilespmem:s17+$0x1500] =	vst v2;
	v57 =	vmul.f32 v3, v0  }
0x8a: {  	[tilespmem:s17+$0x1510] =	vst v1;
	v59 =	vmul.f32 v53, v0  }
0x8b: {  	v60 =	vmul.f32 v54, v0;
	[tilespmem:s17+$0x1520] =	vst v57  }
0x8c: {  	v61 =	vmul.f32 v55, v0;
	[tilespmem:s17+$0x1530] =	vst v59  }
0x8d: {  	v62 =	vmul.f32 v56, v0;
	[tilespmem:s17+$0x1540] =	vst v60  }
0x8e: {  	s15 =	sadd.s32 $0x1, s15;
	v63 =	vmul.f32 v58, v0;
	[tilespmem:s17+$0x1550] =	vst v61  }
0x8f: {  	p1 =	sne.s32 s15, $0x18;
	[tilespmem:s17+$0x1560] =	vst v62  }
.Ltmp1:
0x90: {  	s16 =	sadd.s32 s2, s16;
	[tilespmem:s17+$0x1570] =	vst v63;
	(pc) =	sbr.rel @p1 .LBB2_3-.Ltmp1, $4  }
0x91: {  	[hbm4b:s16+s3] =	stream.linear.scatter [tilespmem:s11], [sflag:$0x1], $0x4800, $0x38;
	[tilespmem:$0x4980] =	vst v63  }
0x92: {  	_ =	swait.ge [sflag:s9], $0x4800  }
0x93: {  	[sflag:s9] =	ssyncset.done $0x0  }
0x94: {  	[sflag:s9] =	ssyncadd.s32 $0xFFFFB800  }
.Ltmp2:
0x95: {  	(pc) =	sbr.rel @p0 .LBB2_2-.Ltmp2, $2  }
0x96: {  	_ =	sdelay $0x2  }
0x97: {  	s13 =	simm.s32 $0x1;
	p1 =	por $0x0, $0x0  }
0x98: {  	s12 =	sadd.s32 $0x1, s12  }
0x99: {  	p0 =	sne.s32 s12, s8  }
.Ltmp3:
0x9a: {  	_ = 	snop;
	(pc) =	sbr.rel @p0 .LBB2_1-.Ltmp3, $1  }
0x9b: {  	_ =	sdelay $0x3  }
0x9c: {  	_ =	sfence.sel $0x180000  }
0x9d: {  	[bflag:$0x0] =	sbarrier.arrive $0xFFFF  }
0x9e: {  	p0 =	sne.s32 s4, $0x0;
	_ =	strace $0x90000047  }
0x9f: {  	s0 =	sadd.s32 @!p0 $0x100000, s0;
	[bflag:$0x2] =	sbarrier.arrive $0xFFFF  }
0xa0: {  	[sflag:s0] =	ssyncadd.tile.s32 @!p0 $0x1;
	_ =	shalt  }
.Lfunc_end2:
_tile_overlayer_lowered:
.L_overlay_start_2:
0xa1: {  	(tag) =	ssettag $0x2  }
0xa2: {  	s0 =	rddreg [dreg:$0x0];
	s2 =	stileid.u32  }
0xa3: {  	s1 =	rddreg [dreg:$0x1];
	p0 =	sne.s32 s2, $0x0  }
0xa4: {  	s3 =	rddreg [dreg:$0x2];
	[bflag:$0x3] =	sbarrier.arrive $0xFFFF;
	s2 =	simm.s32 @!p0 $0x1C01  }
0xa5: {  	[timem:s3], [sflag:s2] =	dma.local @!p0 [hbm:s0], s1  }
0xa6: {  	s0 =	simm.s32 @!p0 $0x1  }
0xa7: {  	_ =	swait.ge @!p0 [sflag:s0], s1  }
0xa8: {  	s1 =	ssub.s32 @!p0 $0x0, s1;
	[sflag:s0] =	ssyncset.done @!p0 $0x0  }
0xa9: {  	[sflag:s0] =	ssyncadd.s32 @!p0 s1  }
0xaa: {  	[bflag:$0x3] =	sbarrier.arrive $0xFFFF  }
0xab: {  	_ =	shalt  }

</sc_bundles>
